<compile_context>
chip_gen: v7x
topology: tpu7x:2x2x1
jax: 0.10.2.dev20260603
libtpu: 0.0.44.dev20260713+nightly
codegen_flags: <defaults>
</compile_context>

<pallas_src>
import functools

import jax
import jax.numpy as jnp
from jax import lax
from jax.experimental import pallas as pl
from jax.experimental.pallas import tpu as pltpu
from jax.experimental.pallas import tpu_sc as plsc

_P = 0.5
_SCALE = 1.0 / (1.0 - _P)
_NC = 2
_NS = 16
_NW = _NC * _NS
_L = 16
_BLK = 20480
_DEPTH = 2
_UNROLL = 16


@functools.cache
def _build(n):
  span = (n // _NW) // 8 * 8
  covered = span * _NW
  tail = n - covered
  nb = span // _BLK
  rem = span - nb * _BLK
  chunks = [(b * _BLK, _BLK) for b in range(nb)]
  if rem:
    chunks.append((nb * _BLK, rem))

  mesh = plsc.VectorSubcoreMesh(core_axis_name="c", subcore_axis_name="s")

  @functools.partial(
      pl.kernel,
      mesh=mesh,
      out_type=jax.ShapeDtypeStruct((n,), jnp.float32),
      scratch_types=(
          [pltpu.VMEM((_BLK,), jnp.float32)] * (3 * _DEPTH)
          + [pltpu.SemaphoreType.DMA] * (3 * _DEPTH)
      ),
  )
  def dropout_k(v_hbm, m_hbm, o_hbm, *scratch):
    bufs = scratch[:3 * _DEPTH]
    sems = scratch[3 * _DEPTH:]
    vbufs = bufs[0:_DEPTH]
    mbufs = bufs[_DEPTH:2 * _DEPTH]
    obufs = bufs[2 * _DEPTH:3 * _DEPTH]
    v_sems = sems[0:_DEPTH]
    m_sems = sems[_DEPTH:2 * _DEPTH]
    o_sems = sems[2 * _DEPTH:3 * _DEPTH]
    wid = lax.axis_index("s") * _NC + lax.axis_index("c")
    base = wid * span

    def start_in(idx):
      p = idx % _DEPTH
      off = pl.multiple_of(base + chunks[idx][0], 8)
      cnt = chunks[idx][1]
      dv = pltpu.async_copy(v_hbm.at[pl.ds(off, cnt)],
                            vbufs[p].at[pl.ds(0, cnt)], v_sems[p])
      dm = pltpu.async_copy(m_hbm.at[pl.ds(off, cnt)],
                            mbufs[p].at[pl.ds(0, cnt)], m_sems[p])
      return dv, dm

    def compute(idx):
      p = idx % _DEPTH
      vb, mb, ob = vbufs[p], mbufs[p], obufs[p]
      nvec = -(-chunks[idx][1] // _L)

      @plsc.parallel_loop(0, nvec, unroll=_UNROLL)
      def _body(i):
        sl = pl.ds(i * _L, _L)
        ob[sl] = jnp.where(mb[sl] >= _P, vb[sl] * _SCALE, 0.0)

    def start_out(idx):
      p = idx % _DEPTH
      off = pl.multiple_of(base + chunks[idx][0], 8)
      cnt = chunks[idx][1]
      return pltpu.async_copy(obufs[p].at[pl.ds(0, cnt)],
                              o_hbm.at[pl.ds(off, cnt)], o_sems[p])

    in_d = {}
    out_d = {}
    for idx in range(min(_DEPTH - 1, len(chunks))):
      in_d[idx] = start_in(idx)
    for idx in range(len(chunks)):
      if idx + _DEPTH - 1 < len(chunks):
        in_d[idx + _DEPTH - 1] = start_in(idx + _DEPTH - 1)
      dv, dm = in_d.pop(idx)
      dv.wait()
      dm.wait()
      if idx >= _DEPTH:
        out_d.pop(idx - _DEPTH).wait()
      compute(idx)
      out_d[idx] = start_out(idx)
    for idx in sorted(out_d):
      out_d.pop(idx).wait()

    if tail:
      @pl.when(wid == _NW - 1)
      def _tail():
        nvec = -(-tail // _L)
        pltpu.sync_copy(v_hbm.at[pl.ds(covered, tail)],
                        vbufs[0].at[pl.ds(0, tail)])
        pltpu.sync_copy(m_hbm.at[pl.ds(covered, tail)],
                        mbufs[0].at[pl.ds(0, tail)])
        for i in range(nvec):
          sl = pl.ds(i * _L, _L)
          obufs[0][sl] = jnp.where(
              mbufs[0][sl] >= _P, vbufs[0][sl] * _SCALE, 0.0)
        pltpu.sync_copy(obufs[0].at[pl.ds(0, tail)],
                        o_hbm.at[pl.ds(covered, tail)])

  return dropout_k


def kernel(indices, values, mask_rand):
  del indices
  return _build(values.shape[0])(values, mask_rand)

# --- scband reference (transcript-rebuilt; emitter-appended) ---
"""Pipeline reference for scband-sparse-dropout-5531917877888 (READ-ONLY COPY).

The authoritative reference and input builder live on the scoring server;
editing this copy changes nothing except your own understanding.
"""

import jax, jax.numpy as jnp
import numpy as np

P = 0.5
N = 16384
NNZ = 2684354


def setup_inputs(seed: int = 0) -> dict:
    key = jax.random.key(seed)
    k1, k2, k3 = jax.random.split(key, 3)
    indices = jax.random.randint(k1, (2, NNZ), 0, N)
    values = jax.random.normal(k2, (NNZ,), dtype=jnp.float32)
    # Pre-drawn uniform randoms that stand in for F.dropout's internal RNG
    mask_rand = jax.random.uniform(k3, (NNZ,), dtype=jnp.float32)
    return {"indices": indices, "values": values, "mask_rand": mask_rand}


def reference(indices, values, mask_rand):
    # SparseDropout.forward in training mode:
    #   input_coal = input.coalesce()  (indices/values already coalesced here)
    #   drop_val = F.dropout(values, p, training=True)
    #   -> keep mask ~ Bernoulli(1-p), kept values scaled by 1/(1-p)
    # The sparse output shares the same indices; we return the new values
    # (the sparse tensor is (indices, drop_val, (N, N))).
    keep = (mask_rand >= P).astype(values.dtype)
    drop_val = values * keep / (1.0 - P)
    return drop_val

if __name__ == "__main__":
    import jax
    _d = setup_inputs()
    print(jax.jit(kernel)(*tuple(_d.values())))

</pallas_src>

<mosaic_0001>
#map = affine_map<(d0, d1) -> (0)>
module attributes {stable_mosaic.version = 14 : i64} {
  func.func @dropout_k(%arg0: i32, %arg1: i32, %arg2: memref<2684354xf32, #tpu.memory_space<hbm>>, %arg3: memref<2684354xf32, #tpu.memory_space<hbm>>, %arg4: memref<2684354xf32, #tpu.memory_space<hbm>>, %arg5: memref<20480xf32, #tpu.memory_space<vmem>>, %arg6: memref<20480xf32, #tpu.memory_space<vmem>>, %arg7: memref<20480xf32, #tpu.memory_space<vmem>>, %arg8: memref<20480xf32, #tpu.memory_space<vmem>>, %arg9: memref<20480xf32, #tpu.memory_space<vmem>>, %arg10: memref<20480xf32, #tpu.memory_space<vmem>>, %arg11: memref<!tpu.dma_semaphore, #tpu.memory_space<semaphore_mem>>, %arg12: memref<!tpu.dma_semaphore, #tpu.memory_space<semaphore_mem>>, %arg13: memref<!tpu.dma_semaphore, #tpu.memory_space<semaphore_mem>>, %arg14: memref<!tpu.dma_semaphore, #tpu.memory_space<semaphore_mem>>, %arg15: memref<!tpu.dma_semaphore, #tpu.memory_space<semaphore_mem>>, %arg16: memref<!tpu.dma_semaphore, #tpu.memory_space<semaphore_mem>>) attributes {dimension_semantics = [#tpu.dimension_semantics<core_parallel>, #tpu.dimension_semantics<subcore_parallel>], iteration_bounds = array<i64: 2, 16>, scalar_prefetch = 0 : i64, scratch_operands = 12 : i64, tpu.core_type = #tpu.core_type<sc_vector_subcore>, window_params = [{transform_indices = #map}, {transform_indices = #map}, {transform_indices = #map}]} {
    %mul3A = arith.constant 2 : i32
    %mul3A_0 = arith.muli %arg1, %mul3A : i32
    %add3A = arith.addi %mul3A_0, %arg0 : i32
    %mul3A_1 = arith.constant 83880 : i32
    %mul3A_2 = arith.muli %add3A, %mul3A_1 : i32
    %add3A_3 = arith.constant 0 : i32
    %add3A_4 = arith.addi %mul3A_2, %add3A_3 : i32
    %multiple_of3A = tpu.assume_multiple %add3A_4, 8 : i32
    %dma_start3A = arith.constant 0 : i32
    %dma_start3A_5 = tpu.memref_slice %arg5[%dma_start3A] : memref<20480xf32, #tpu.memory_space<vmem>> -> memref<20480xf32, #tpu.memory_space<vmem>>
    %dma_start3A_6 = tpu.memref_slice %arg2[%multiple_of3A] : memref<2684354xf32, #tpu.memory_space<hbm>> -> memref<20480xf32, #tpu.memory_space<hbm>>
    %dma_start3A_7 = arith.constant 0 : i32
    %dma_start3A_8 = tpu.memref_slice %arg5[%dma_start3A_7] : memref<20480xf32, #tpu.memory_space<vmem>> -> memref<20480xf32, #tpu.memory_space<vmem>>
    %dma_start3A_9 = tpu.memref_slice %arg2[%multiple_of3A] : memref<2684354xf32, #tpu.memory_space<hbm>> -> memref<20480xf32, #tpu.memory_space<hbm>>
    tpu.enqueue_dma source(%dma_start3A_9 : memref<20480xf32, #tpu.memory_space<hbm>>) target(%dma_start3A_8 : memref<20480xf32, #tpu.memory_space<vmem>>) target_semaphore(%arg11 : memref<!tpu.dma_semaphore, #tpu.memory_space<semaphore_mem>>)
    %dma_start3A_10 = arith.constant 0 : i32
    %dma_start3A_11 = tpu.memref_slice %arg7[%dma_start3A_10] : memref<20480xf32, #tpu.memory_space<vmem>> -> memref<20480xf32, #tpu.memory_space<vmem>>
    %dma_start3A_12 = tpu.memref_slice %arg3[%multiple_of3A] : memref<2684354xf32, #tpu.memory_space<hbm>> -> memref<20480xf32, #tpu.memory_space<hbm>>
    %dma_start3A_13 = arith.constant 0 : i32
    %dma_start3A_14 = tpu.memref_slice %arg7[%dma_start3A_13] : memref<20480xf32, #tpu.memory_space<vmem>> -> memref<20480xf32, #tpu.memory_space<vmem>>
    %dma_start3A_15 = tpu.memref_slice %arg3[%multiple_of3A] : memref<2684354xf32, #tpu.memory_space<hbm>> -> memref<20480xf32, #tpu.memory_space<hbm>>
    tpu.enqueue_dma source(%dma_start3A_15 : memref<20480xf32, #tpu.memory_space<hbm>>) target(%dma_start3A_14 : memref<20480xf32, #tpu.memory_space<vmem>>) target_semaphore(%arg13 : memref<!tpu.dma_semaphore, #tpu.memory_space<semaphore_mem>>)
    %add3A_16 = arith.constant 20480 : i32
    %add3A_17 = arith.addi %mul3A_2, %add3A_16 : i32
    %multiple_of3A_18 = tpu.assume_multiple %add3A_17, 8 : i32
    %dma_start3A_19 = arith.constant 0 : i32
    %dma_start3A_20 = tpu.memref_slice %arg6[%dma_start3A_19] : memref<20480xf32, #tpu.memory_space<vmem>> -> memref<20480xf32, #tpu.memory_space<vmem>>
    %dma_start3A_21 = tpu.memref_slice %arg2[%multiple_of3A_18] : memref<2684354xf32, #tpu.memory_space<hbm>> -> memref<20480xf32, #tpu.memory_space<hbm>>
    %dma_start3A_22 = arith.constant 0 : i32
    %dma_start3A_23 = tpu.memref_slice %arg6[%dma_start3A_22] : memref<20480xf32, #tpu.memory_space<vmem>> -> memref<20480xf32, #tpu.memory_space<vmem>>
    %dma_start3A_24 = tpu.memref_slice %arg2[%multiple_of3A_18] : memref<2684354xf32, #tpu.memory_space<hbm>> -> memref<20480xf32, #tpu.memory_space<hbm>>
    tpu.enqueue_dma source(%dma_start3A_24 : memref<20480xf32, #tpu.memory_space<hbm>>) target(%dma_start3A_23 : memref<20480xf32, #tpu.memory_space<vmem>>) target_semaphore(%arg12 : memref<!tpu.dma_semaphore, #tpu.memory_space<semaphore_mem>>)
    %dma_start3A_25 = arith.constant 0 : i32
    %dma_start3A_26 = tpu.memref_slice %arg8[%dma_start3A_25] : memref<20480xf32, #tpu.memory_space<vmem>> -> memref<20480xf32, #tpu.memory_space<vmem>>
    %dma_start3A_27 = tpu.memref_slice %arg3[%multiple_of3A_18] : memref<2684354xf32, #tpu.memory_space<hbm>> -> memref<20480xf32, #tpu.memory_space<hbm>>
    %dma_start3A_28 = arith.constant 0 : i32
    %dma_start3A_29 = tpu.memref_slice %arg8[%dma_start3A_28] : memref<20480xf32, #tpu.memory_space<vmem>> -> memref<20480xf32, #tpu.memory_space<vmem>>
    %dma_start3A_30 = tpu.memref_slice %arg3[%multiple_of3A_18] : memref<2684354xf32, #tpu.memory_space<hbm>> -> memref<20480xf32, #tpu.memory_space<hbm>>
    tpu.enqueue_dma source(%dma_start3A_30 : memref<20480xf32, #tpu.memory_space<hbm>>) target(%dma_start3A_29 : memref<20480xf32, #tpu.memory_space<vmem>>) target_semaphore(%arg14 : memref<!tpu.dma_semaphore, #tpu.memory_space<semaphore_mem>>)
    %dma_wait3A = arith.constant 0 : i32
    %dma_wait3A_31 = tpu.memref_slice %arg5[%dma_wait3A] : memref<20480xf32, #tpu.memory_space<vmem>> -> memref<20480xf32, #tpu.memory_space<vmem>>
    %dma_wait3A_32 = tpu.memref_slice %arg2[%multiple_of3A] : memref<2684354xf32, #tpu.memory_space<hbm>> -> memref<20480xf32, #tpu.memory_space<hbm>>
    %dma_wait3A_33 = arith.constant 0 : i32
    %dma_wait3A_34 = tpu.memref_slice %arg5[%dma_wait3A_33] : memref<20480xf32, #tpu.memory_space<vmem>> -> memref<20480xf32, #tpu.memory_space<vmem>>
    %dma_wait3A_35 = tpu.memref_slice %arg2[%multiple_of3A] : memref<2684354xf32, #tpu.memory_space<hbm>> -> memref<20480xf32, #tpu.memory_space<hbm>>
    tpu.wait_dma2 semaphore(%arg11 : memref<!tpu.dma_semaphore, #tpu.memory_space<semaphore_mem>>) src(%dma_wait3A_35 : memref<20480xf32, #tpu.memory_space<hbm>>) dst(%dma_wait3A_34 : memref<20480xf32, #tpu.memory_space<vmem>>)
    %dma_wait3A_36 = arith.constant 0 : i32
    %dma_wait3A_37 = tpu.memref_slice %arg7[%dma_wait3A_36] : memref<20480xf32, #tpu.memory_space<vmem>> -> memref<20480xf32, #tpu.memory_space<vmem>>
    %dma_wait3A_38 = tpu.memref_slice %arg3[%multiple_of3A] : memref<2684354xf32, #tpu.memory_space<hbm>> -> memref<20480xf32, #tpu.memory_space<hbm>>
    %dma_wait3A_39 = arith.constant 0 : i32
    %dma_wait3A_40 = tpu.memref_slice %arg7[%dma_wait3A_39] : memref<20480xf32, #tpu.memory_space<vmem>> -> memref<20480xf32, #tpu.memory_space<vmem>>
    %dma_wait3A_41 = tpu.memref_slice %arg3[%multiple_of3A] : memref<2684354xf32, #tpu.memory_space<hbm>> -> memref<20480xf32, #tpu.memory_space<hbm>>
    tpu.wait_dma2 semaphore(%arg13 : memref<!tpu.dma_semaphore, #tpu.memory_space<semaphore_mem>>) src(%dma_wait3A_41 : memref<20480xf32, #tpu.memory_space<hbm>>) dst(%dma_wait3A_40 : memref<20480xf32, #tpu.memory_space<vmem>>)
    %parallel_loop3A = arith.constant 0 : i32
    %parallel_loop3A_42 = arith.constant 1280 : i32
    %parallel_loop3A_43 = arith.constant 1 : i32
    scf.for %parallel_loop3A_226 = %parallel_loop3A to %parallel_loop3A_42 step %parallel_loop3A_43  : i32 {
      %parallel_loop3A_227 = arith.constant 16 : i32
      %parallel_loop3A_228 = arith.muli %parallel_loop3A_226, %parallel_loop3A_227 : i32
      %parallel_loop3A_229 = arith.index_cast %parallel_loop3A_228 : i32 to index
      %parallel_loop3A_230 = tpu.vector_load %arg7[%parallel_loop3A_229] {strides = array<i32>} : memref<20480xf32, #tpu.memory_space<vmem>>, vector<16xf32>,
      %parallel_loop3A_231 = vector.shape_cast %parallel_loop3A_230 : vector<16xf32> to vector<16xf32>
      %parallel_loop3A_232 = arith.constant 5.000000e-01 : f32
      %parallel_loop3A_233 = vector.broadcast %parallel_loop3A_232 : f32 to vector<16xf32>
      %parallel_loop3A_234 = arith.cmpf oge, %parallel_loop3A_231, %parallel_loop3A_233 : vector<16xf32>
      %parallel_loop3A_235 = arith.index_cast %parallel_loop3A_228 : i32 to index
      %parallel_loop3A_236 = tpu.vector_load %arg5[%parallel_loop3A_235] {strides = array<i32>} : memref<20480xf32, #tpu.memory_space<vmem>>, vector<16xf32>,
      %parallel_loop3A_237 = vector.shape_cast %parallel_loop3A_236 : vector<16xf32> to vector<16xf32>
      %parallel_loop3A_238 = arith.constant 2.000000e+00 : f32
      %parallel_loop3A_239 = vector.broadcast %parallel_loop3A_238 : f32 to vector<16xf32>
      %parallel_loop3A_240 = arith.mulf %parallel_loop3A_237, %parallel_loop3A_239 : vector<16xf32>
      %parallel_loop3A_241 = arith.constant 0.000000e+00 : f32
      %parallel_loop3A_242 = vector.broadcast %parallel_loop3A_241 : f32 to vector<16xf32>
      %parallel_loop3A_243 = arith.select %parallel_loop3A_234, %parallel_loop3A_240, %parallel_loop3A_242 : vector<16xi1>, vector<16xf32>
      %parallel_loop3A_244 = arith.index_cast %parallel_loop3A_228 : i32 to index
      %parallel_loop3A_245 = tpu.vector_load %arg9[%parallel_loop3A_244] {strides = array<i32>} : memref<20480xf32, #tpu.memory_space<vmem>>, vector<16xf32>,
      %parallel_loop3A_246 = vector.shape_cast %parallel_loop3A_245 : vector<16xf32> to vector<16xf32>
      %parallel_loop3A_247 = vector.shape_cast %parallel_loop3A_243 : vector<16xf32> to vector<16xf32>
      tpu.vector_store %arg9[%parallel_loop3A_244], %parallel_loop3A_247 {strides = array<i32>} : memref<20480xf32, #tpu.memory_space<vmem>>, vector<16xf32>,
    } {sc.loop_unroll_factor = 16 : i64, sc.parallel_access}
    %add3A_44 = arith.constant 0 : i32
    %add3A_45 = arith.addi %mul3A_2, %add3A_44 : i32
    %multiple_of3A_46 = tpu.assume_multiple %add3A_45, 8 : i32
    %dma_start3A_47 = arith.constant 0 : i32
    %dma_start3A_48 = tpu.memref_slice %arg9[%dma_start3A_47] : memref<20480xf32, #tpu.memory_space<vmem>> -> memref<20480xf32, #tpu.memory_space<vmem>>
    %dma_start3A_49 = tpu.memref_slice %arg4[%multiple_of3A_46] : memref<2684354xf32, #tpu.memory_space<hbm>> -> memref<20480xf32, #tpu.memory_space<hbm>>
    %dma_start3A_50 = tpu.memref_slice %arg4[%multiple_of3A_46] : memref<2684354xf32, #tpu.memory_space<hbm>> -> memref<20480xf32, #tpu.memory_space<hbm>>
    %dma_start3A_51 = arith.constant 0 : i32
    %dma_start3A_52 = tpu.memref_slice %arg9[%dma_start3A_51] : memref<20480xf32, #tpu.memory_space<vmem>> -> memref<20480xf32, #tpu.memory_space<vmem>>
    tpu.enqueue_dma source(%dma_start3A_52 : memref<20480xf32, #tpu.memory_space<vmem>>) target(%dma_start3A_50 : memref<20480xf32, #tpu.memory_space<hbm>>) target_semaphore(%arg15 : memref<!tpu.dma_semaphore, #tpu.memory_space<semaphore_mem>>)
    %add3A_53 = arith.constant 40960 : i32
    %add3A_54 = arith.addi %mul3A_2, %add3A_53 : i32
    %multiple_of3A_55 = tpu.assume_multiple %add3A_54, 8 : i32
    %dma_start3A_56 = arith.constant 0 : i32
    %dma_start3A_57 = tpu.memref_slice %arg5[%dma_start3A_56] : memref<20480xf32, #tpu.memory_space<vmem>> -> memref<20480xf32, #tpu.memory_space<vmem>>
    %dma_start3A_58 = tpu.memref_slice %arg2[%multiple_of3A_55] : memref<2684354xf32, #tpu.memory_space<hbm>> -> memref<20480xf32, #tpu.memory_space<hbm>>
    %dma_start3A_59 = arith.constant 0 : i32
    %dma_start3A_60 = tpu.memref_slice %arg5[%dma_start3A_59] : memref<20480xf32, #tpu.memory_space<vmem>> -> memref<20480xf32, #tpu.memory_space<vmem>>
    %dma_start3A_61 = tpu.memref_slice %arg2[%multiple_of3A_55] : memref<2684354xf32, #tpu.memory_space<hbm>> -> memref<20480xf32, #tpu.memory_space<hbm>>
    tpu.enqueue_dma source(%dma_start3A_61 : memref<20480xf32, #tpu.memory_space<hbm>>) target(%dma_start3A_60 : memref<20480xf32, #tpu.memory_space<vmem>>) target_semaphore(%arg11 : memref<!tpu.dma_semaphore, #tpu.memory_space<semaphore_mem>>)
    %dma_start3A_62 = arith.constant 0 : i32
    %dma_start3A_63 = tpu.memref_slice %arg7[%dma_start3A_62] : memref<20480xf32, #tpu.memory_space<vmem>> -> memref<20480xf32, #tpu.memory_space<vmem>>
    %dma_start3A_64 = tpu.memref_slice %arg3[%multiple_of3A_55] : memref<2684354xf32, #tpu.memory_space<hbm>> -> memref<20480xf32, #tpu.memory_space<hbm>>
    %dma_start3A_65 = arith.constant 0 : i32
    %dma_start3A_66 = tpu.memref_slice %arg7[%dma_start3A_65] : memref<20480xf32, #tpu.memory_space<vmem>> -> memref<20480xf32, #tpu.memory_space<vmem>>
    %dma_start3A_67 = tpu.memref_slice %arg3[%multiple_of3A_55] : memref<2684354xf32, #tpu.memory_space<hbm>> -> memref<20480xf32, #tpu.memory_space<hbm>>
    tpu.enqueue_dma source(%dma_start3A_67 : memref<20480xf32, #tpu.memory_space<hbm>>) target(%dma_start3A_66 : memref<20480xf32, #tpu.memory_space<vmem>>) target_semaphore(%arg13 : memref<!tpu.dma_semaphore, #tpu.memory_space<semaphore_mem>>)
    %dma_wait3A_68 = arith.constant 0 : i32
    %dma_wait3A_69 = tpu.memref_slice %arg6[%dma_wait3A_68] : memref<20480xf32, #tpu.memory_space<vmem>> -> memref<20480xf32, #tpu.memory_space<vmem>>
    %dma_wait3A_70 = tpu.memref_slice %arg2[%multiple_of3A_18] : memref<2684354xf32, #tpu.memory_space<hbm>> -> memref<20480xf32, #tpu.memory_space<hbm>>
    %dma_wait3A_71 = arith.constant 0 : i32
    %dma_wait3A_72 = tpu.memref_slice %arg6[%dma_wait3A_71] : memref<20480xf32, #tpu.memory_space<vmem>> -> memref<20480xf32, #tpu.memory_space<vmem>>
    %dma_wait3A_73 = tpu.memref_slice %arg2[%multiple_of3A_18] : memref<2684354xf32, #tpu.memory_space<hbm>> -> memref<20480xf32, #tpu.memory_space<hbm>>
    tpu.wait_dma2 semaphore(%arg12 : memref<!tpu.dma_semaphore, #tpu.memory_space<semaphore_mem>>) src(%dma_wait3A_73 : memref<20480xf32, #tpu.memory_space<hbm>>) dst(%dma_wait3A_72 : memref<20480xf32, #tpu.memory_space<vmem>>)
    %dma_wait3A_74 = arith.constant 0 : i32
    %dma_wait3A_75 = tpu.memref_slice %arg8[%dma_wait3A_74] : memref<20480xf32, #tpu.memory_space<vmem>> -> memref<20480xf32, #tpu.memory_space<vmem>>
    %dma_wait3A_76 = tpu.memref_slice %arg3[%multiple_of3A_18] : memref<2684354xf32, #tpu.memory_space<hbm>> -> memref<20480xf32, #tpu.memory_space<hbm>>
    %dma_wait3A_77 = arith.constant 0 : i32
    %dma_wait3A_78 = tpu.memref_slice %arg8[%dma_wait3A_77] : memref<20480xf32, #tpu.memory_space<vmem>> -> memref<20480xf32, #tpu.memory_space<vmem>>
    %dma_wait3A_79 = tpu.memref_slice %arg3[%multiple_of3A_18] : memref<2684354xf32, #tpu.memory_space<hbm>> -> memref<20480xf32, #tpu.memory_space<hbm>>
    tpu.wait_dma2 semaphore(%arg14 : memref<!tpu.dma_semaphore, #tpu.memory_space<semaphore_mem>>) src(%dma_wait3A_79 : memref<20480xf32, #tpu.memory_space<hbm>>) dst(%dma_wait3A_78 : memref<20480xf32, #tpu.memory_space<vmem>>)
    %parallel_loop3A_80 = arith.constant 0 : i32
    %parallel_loop3A_81 = arith.constant 1280 : i32
    %parallel_loop3A_82 = arith.constant 1 : i32
    scf.for %parallel_loop3A_226 = %parallel_loop3A_80 to %parallel_loop3A_81 step %parallel_loop3A_82  : i32 {
      %parallel_loop3A_227 = arith.constant 16 : i32
      %parallel_loop3A_228 = arith.muli %parallel_loop3A_226, %parallel_loop3A_227 : i32
      %parallel_loop3A_229 = arith.index_cast %parallel_loop3A_228 : i32 to index
      %parallel_loop3A_230 = tpu.vector_load %arg8[%parallel_loop3A_229] {strides = array<i32>} : memref<20480xf32, #tpu.memory_space<vmem>>, vector<16xf32>,
      %parallel_loop3A_231 = vector.shape_cast %parallel_loop3A_230 : vector<16xf32> to vector<16xf32>
      %parallel_loop3A_232 = arith.constant 5.000000e-01 : f32
      %parallel_loop3A_233 = vector.broadcast %parallel_loop3A_232 : f32 to vector<16xf32>
      %parallel_loop3A_234 = arith.cmpf oge, %parallel_loop3A_231, %parallel_loop3A_233 : vector<16xf32>
      %parallel_loop3A_235 = arith.index_cast %parallel_loop3A_228 : i32 to index
      %parallel_loop3A_236 = tpu.vector_load %arg6[%parallel_loop3A_235] {strides = array<i32>} : memref<20480xf32, #tpu.memory_space<vmem>>, vector<16xf32>,
      %parallel_loop3A_237 = vector.shape_cast %parallel_loop3A_236 : vector<16xf32> to vector<16xf32>
      %parallel_loop3A_238 = arith.constant 2.000000e+00 : f32
      %parallel_loop3A_239 = vector.broadcast %parallel_loop3A_238 : f32 to vector<16xf32>
      %parallel_loop3A_240 = arith.mulf %parallel_loop3A_237, %parallel_loop3A_239 : vector<16xf32>
      %parallel_loop3A_241 = arith.constant 0.000000e+00 : f32
      %parallel_loop3A_242 = vector.broadcast %parallel_loop3A_241 : f32 to vector<16xf32>
      %parallel_loop3A_243 = arith.select %parallel_loop3A_234, %parallel_loop3A_240, %parallel_loop3A_242 : vector<16xi1>, vector<16xf32>
      %parallel_loop3A_244 = arith.index_cast %parallel_loop3A_228 : i32 to index
      %parallel_loop3A_245 = tpu.vector_load %arg10[%parallel_loop3A_244] {strides = array<i32>} : memref<20480xf32, #tpu.memory_space<vmem>>, vector<16xf32>,
      %parallel_loop3A_246 = vector.shape_cast %parallel_loop3A_245 : vector<16xf32> to vector<16xf32>
      %parallel_loop3A_247 = vector.shape_cast %parallel_loop3A_243 : vector<16xf32> to vector<16xf32>
      tpu.vector_store %arg10[%parallel_loop3A_244], %parallel_loop3A_247 {strides = array<i32>} : memref<20480xf32, #tpu.memory_space<vmem>>, vector<16xf32>,
    } {sc.loop_unroll_factor = 16 : i64, sc.parallel_access}
    %add3A_83 = arith.constant 20480 : i32
    %add3A_84 = arith.addi %mul3A_2, %add3A_83 : i32
    %multiple_of3A_85 = tpu.assume_multiple %add3A_84, 8 : i32
    %dma_start3A_86 = arith.constant 0 : i32
    %dma_start3A_87 = tpu.memref_slice %arg10[%dma_start3A_86] : memref<20480xf32, #tpu.memory_space<vmem>> -> memref<20480xf32, #tpu.memory_space<vmem>>
    %dma_start3A_88 = tpu.memref_slice %arg4[%multiple_of3A_85] : memref<2684354xf32, #tpu.memory_space<hbm>> -> memref<20480xf32, #tpu.memory_space<hbm>>
    %dma_start3A_89 = tpu.memref_slice %arg4[%multiple_of3A_85] : memref<2684354xf32, #tpu.memory_space<hbm>> -> memref<20480xf32, #tpu.memory_space<hbm>>
    %dma_start3A_90 = arith.constant 0 : i32
    %dma_start3A_91 = tpu.memref_slice %arg10[%dma_start3A_90] : memref<20480xf32, #tpu.memory_space<vmem>> -> memref<20480xf32, #tpu.memory_space<vmem>>
    tpu.enqueue_dma source(%dma_start3A_91 : memref<20480xf32, #tpu.memory_space<vmem>>) target(%dma_start3A_89 : memref<20480xf32, #tpu.memory_space<hbm>>) target_semaphore(%arg16 : memref<!tpu.dma_semaphore, #tpu.memory_space<semaphore_mem>>)
    %add3A_92 = arith.constant 61440 : i32
    %add3A_93 = arith.addi %mul3A_2, %add3A_92 : i32
    %multiple_of3A_94 = tpu.assume_multiple %add3A_93, 8 : i32
    %dma_start3A_95 = arith.constant 0 : i32
    %dma_start3A_96 = tpu.memref_slice %arg6[%dma_start3A_95] : memref<20480xf32, #tpu.memory_space<vmem>> -> memref<20480xf32, #tpu.memory_space<vmem>>
    %dma_start3A_97 = tpu.memref_slice %arg2[%multiple_of3A_94] : memref<2684354xf32, #tpu.memory_space<hbm>> -> memref<20480xf32, #tpu.memory_space<hbm>>
    %dma_start3A_98 = arith.constant 0 : i32
    %dma_start3A_99 = tpu.memref_slice %arg6[%dma_start3A_98] : memref<20480xf32, #tpu.memory_space<vmem>> -> memref<20480xf32, #tpu.memory_space<vmem>>
    %dma_start3A_100 = tpu.memref_slice %arg2[%multiple_of3A_94] : memref<2684354xf32, #tpu.memory_space<hbm>> -> memref<20480xf32, #tpu.memory_space<hbm>>
    tpu.enqueue_dma source(%dma_start3A_100 : memref<20480xf32, #tpu.memory_space<hbm>>) target(%dma_start3A_99 : memref<20480xf32, #tpu.memory_space<vmem>>) target_semaphore(%arg12 : memref<!tpu.dma_semaphore, #tpu.memory_space<semaphore_mem>>)
    %dma_start3A_101 = arith.constant 0 : i32
    %dma_start3A_102 = tpu.memref_slice %arg8[%dma_start3A_101] : memref<20480xf32, #tpu.memory_space<vmem>> -> memref<20480xf32, #tpu.memory_space<vmem>>
    %dma_start3A_103 = tpu.memref_slice %arg3[%multiple_of3A_94] : memref<2684354xf32, #tpu.memory_space<hbm>> -> memref<20480xf32, #tpu.memory_space<hbm>>
    %dma_start3A_104 = arith.constant 0 : i32
    %dma_start3A_105 = tpu.memref_slice %arg8[%dma_start3A_104] : memref<20480xf32, #tpu.memory_space<vmem>> -> memref<20480xf32, #tpu.memory_space<vmem>>
    %dma_start3A_106 = tpu.memref_slice %arg3[%multiple_of3A_94] : memref<2684354xf32, #tpu.memory_space<hbm>> -> memref<20480xf32, #tpu.memory_space<hbm>>
    tpu.enqueue_dma source(%dma_start3A_106 : memref<20480xf32, #tpu.memory_space<hbm>>) target(%dma_start3A_105 : memref<20480xf32, #tpu.memory_space<vmem>>) target_semaphore(%arg14 : memref<!tpu.dma_semaphore, #tpu.memory_space<semaphore_mem>>)
    %dma_wait3A_107 = arith.constant 0 : i32
    %dma_wait3A_108 = tpu.memref_slice %arg5[%dma_wait3A_107] : memref<20480xf32, #tpu.memory_space<vmem>> -> memref<20480xf32, #tpu.memory_space<vmem>>
    %dma_wait3A_109 = tpu.memref_slice %arg2[%multiple_of3A_55] : memref<2684354xf32, #tpu.memory_space<hbm>> -> memref<20480xf32, #tpu.memory_space<hbm>>
    %dma_wait3A_110 = arith.constant 0 : i32
    %dma_wait3A_111 = tpu.memref_slice %arg5[%dma_wait3A_110] : memref<20480xf32, #tpu.memory_space<vmem>> -> memref<20480xf32, #tpu.memory_space<vmem>>
    %dma_wait3A_112 = tpu.memref_slice %arg2[%multiple_of3A_55] : memref<2684354xf32, #tpu.memory_space<hbm>> -> memref<20480xf32, #tpu.memory_space<hbm>>
    tpu.wait_dma2 semaphore(%arg11 : memref<!tpu.dma_semaphore, #tpu.memory_space<semaphore_mem>>) src(%dma_wait3A_112 : memref<20480xf32, #tpu.memory_space<hbm>>) dst(%dma_wait3A_111 : memref<20480xf32, #tpu.memory_space<vmem>>)
    %dma_wait3A_113 = arith.constant 0 : i32
    %dma_wait3A_114 = tpu.memref_slice %arg7[%dma_wait3A_113] : memref<20480xf32, #tpu.memory_space<vmem>> -> memref<20480xf32, #tpu.memory_space<vmem>>
    %dma_wait3A_115 = tpu.memref_slice %arg3[%multiple_of3A_55] : memref<2684354xf32, #tpu.memory_space<hbm>> -> memref<20480xf32, #tpu.memory_space<hbm>>
    %dma_wait3A_116 = arith.constant 0 : i32
    %dma_wait3A_117 = tpu.memref_slice %arg7[%dma_wait3A_116] : memref<20480xf32, #tpu.memory_space<vmem>> -> memref<20480xf32, #tpu.memory_space<vmem>>
    %dma_wait3A_118 = tpu.memref_slice %arg3[%multiple_of3A_55] : memref<2684354xf32, #tpu.memory_space<hbm>> -> memref<20480xf32, #tpu.memory_space<hbm>>
    tpu.wait_dma2 semaphore(%arg13 : memref<!tpu.dma_semaphore, #tpu.memory_space<semaphore_mem>>) src(%dma_wait3A_118 : memref<20480xf32, #tpu.memory_space<hbm>>) dst(%dma_wait3A_117 : memref<20480xf32, #tpu.memory_space<vmem>>)
    %dma_wait3A_119 = arith.constant 0 : i32
    %dma_wait3A_120 = tpu.memref_slice %arg9[%dma_wait3A_119] : memref<20480xf32, #tpu.memory_space<vmem>> -> memref<20480xf32, #tpu.memory_space<vmem>>
    %dma_wait3A_121 = tpu.memref_slice %arg4[%multiple_of3A_46] : memref<2684354xf32, #tpu.memory_space<hbm>> -> memref<20480xf32, #tpu.memory_space<hbm>>
    %dma_wait3A_122 = tpu.memref_slice %arg4[%multiple_of3A_46] : memref<2684354xf32, #tpu.memory_space<hbm>> -> memref<20480xf32, #tpu.memory_space<hbm>>
    %dma_wait3A_123 = arith.constant 0 : i32
    %dma_wait3A_124 = tpu.memref_slice %arg9[%dma_wait3A_123] : memref<20480xf32, #tpu.memory_space<vmem>> -> memref<20480xf32, #tpu.memory_space<vmem>>
    tpu.wait_dma2 semaphore(%arg15 : memref<!tpu.dma_semaphore, #tpu.memory_space<semaphore_mem>>) src(%dma_wait3A_124 : memref<20480xf32, #tpu.memory_space<vmem>>) dst(%dma_wait3A_122 : memref<20480xf32, #tpu.memory_space<hbm>>)
    %parallel_loop3A_125 = arith.constant 0 : i32
    %parallel_loop3A_126 = arith.constant 1280 : i32
    %parallel_loop3A_127 = arith.constant 1 : i32
    scf.for %parallel_loop3A_226 = %parallel_loop3A_125 to %parallel_loop3A_126 step %parallel_loop3A_127  : i32 {
      %parallel_loop3A_227 = arith.constant 16 : i32
      %parallel_loop3A_228 = arith.muli %parallel_loop3A_226, %parallel_loop3A_227 : i32
      %parallel_loop3A_229 = arith.index_cast %parallel_loop3A_228 : i32 to index
      %parallel_loop3A_230 = tpu.vector_load %arg7[%parallel_loop3A_229] {strides = array<i32>} : memref<20480xf32, #tpu.memory_space<vmem>>, vector<16xf32>,
      %parallel_loop3A_231 = vector.shape_cast %parallel_loop3A_230 : vector<16xf32> to vector<16xf32>
      %parallel_loop3A_232 = arith.constant 5.000000e-01 : f32
      %parallel_loop3A_233 = vector.broadcast %parallel_loop3A_232 : f32 to vector<16xf32>
      %parallel_loop3A_234 = arith.cmpf oge, %parallel_loop3A_231, %parallel_loop3A_233 : vector<16xf32>
      %parallel_loop3A_235 = arith.index_cast %parallel_loop3A_228 : i32 to index
      %parallel_loop3A_236 = tpu.vector_load %arg5[%parallel_loop3A_235] {strides = array<i32>} : memref<20480xf32, #tpu.memory_space<vmem>>, vector<16xf32>,
      %parallel_loop3A_237 = vector.shape_cast %parallel_loop3A_236 : vector<16xf32> to vector<16xf32>
      %parallel_loop3A_238 = arith.constant 2.000000e+00 : f32
      %parallel_loop3A_239 = vector.broadcast %parallel_loop3A_238 : f32 to vector<16xf32>
      %parallel_loop3A_240 = arith.mulf %parallel_loop3A_237, %parallel_loop3A_239 : vector<16xf32>
      %parallel_loop3A_241 = arith.constant 0.000000e+00 : f32
      %parallel_loop3A_242 = vector.broadcast %parallel_loop3A_241 : f32 to vector<16xf32>
      %parallel_loop3A_243 = arith.select %parallel_loop3A_234, %parallel_loop3A_240, %parallel_loop3A_242 : vector<16xi1>, vector<16xf32>
      %parallel_loop3A_244 = arith.index_cast %parallel_loop3A_228 : i32 to index
      %parallel_loop3A_245 = tpu.vector_load %arg9[%parallel_loop3A_244] {strides = array<i32>} : memref<20480xf32, #tpu.memory_space<vmem>>, vector<16xf32>,
      %parallel_loop3A_246 = vector.shape_cast %parallel_loop3A_245 : vector<16xf32> to vector<16xf32>
      %parallel_loop3A_247 = vector.shape_cast %parallel_loop3A_243 : vector<16xf32> to vector<16xf32>
      tpu.vector_store %arg9[%parallel_loop3A_244], %parallel_loop3A_247 {strides = array<i32>} : memref<20480xf32, #tpu.memory_space<vmem>>, vector<16xf32>,
    } {sc.loop_unroll_factor = 16 : i64, sc.parallel_access}
    %add3A_128 = arith.constant 40960 : i32
    %add3A_129 = arith.addi %mul3A_2, %add3A_128 : i32
    %multiple_of3A_130 = tpu.assume_multiple %add3A_129, 8 : i32
    %dma_start3A_131 = arith.constant 0 : i32
    %dma_start3A_132 = tpu.memref_slice %arg9[%dma_start3A_131] : memref<20480xf32, #tpu.memory_space<vmem>> -> memref<20480xf32, #tpu.memory_space<vmem>>
    %dma_start3A_133 = tpu.memref_slice %arg4[%multiple_of3A_130] : memref<2684354xf32, #tpu.memory_space<hbm>> -> memref<20480xf32, #tpu.memory_space<hbm>>
    %dma_start3A_134 = tpu.memref_slice %arg4[%multiple_of3A_130] : memref<2684354xf32, #tpu.memory_space<hbm>> -> memref<20480xf32, #tpu.memory_space<hbm>>
    %dma_start3A_135 = arith.constant 0 : i32
    %dma_start3A_136 = tpu.memref_slice %arg9[%dma_start3A_135] : memref<20480xf32, #tpu.memory_space<vmem>> -> memref<20480xf32, #tpu.memory_space<vmem>>
    tpu.enqueue_dma source(%dma_start3A_136 : memref<20480xf32, #tpu.memory_space<vmem>>) target(%dma_start3A_134 : memref<20480xf32, #tpu.memory_space<hbm>>) target_semaphore(%arg15 : memref<!tpu.dma_semaphore, #tpu.memory_space<semaphore_mem>>)
    %add3A_137 = arith.constant 81920 : i32
    %add3A_138 = arith.addi %mul3A_2, %add3A_137 : i32
    %multiple_of3A_139 = tpu.assume_multiple %add3A_138, 8 : i32
    %dma_start3A_140 = arith.constant 0 : i32
    %dma_start3A_141 = tpu.memref_slice %arg5[%dma_start3A_140] : memref<20480xf32, #tpu.memory_space<vmem>> -> memref<1960xf32, #tpu.memory_space<vmem>>
    %dma_start3A_142 = tpu.memref_slice %arg2[%multiple_of3A_139] : memref<2684354xf32, #tpu.memory_space<hbm>> -> memref<1960xf32, #tpu.memory_space<hbm>>
    %dma_start3A_143 = arith.constant 0 : i32
    %dma_start3A_144 = tpu.memref_slice %arg5[%dma_start3A_143] : memref<20480xf32, #tpu.memory_space<vmem>> -> memref<1960xf32, #tpu.memory_space<vmem>>
    %dma_start3A_145 = tpu.memref_slice %arg2[%multiple_of3A_139] : memref<2684354xf32, #tpu.memory_space<hbm>> -> memref<1960xf32, #tpu.memory_space<hbm>>
    tpu.enqueue_dma source(%dma_start3A_145 : memref<1960xf32, #tpu.memory_space<hbm>>) target(%dma_start3A_144 : memref<1960xf32, #tpu.memory_space<vmem>>) target_semaphore(%arg11 : memref<!tpu.dma_semaphore, #tpu.memory_space<semaphore_mem>>)
    %dma_start3A_146 = arith.constant 0 : i32
    %dma_start3A_147 = tpu.memref_slice %arg7[%dma_start3A_146] : memref<20480xf32, #tpu.memory_space<vmem>> -> memref<1960xf32, #tpu.memory_space<vmem>>
    %dma_start3A_148 = tpu.memref_slice %arg3[%multiple_of3A_139] : memref<2684354xf32, #tpu.memory_space<hbm>> -> memref<1960xf32, #tpu.memory_space<hbm>>
    %dma_start3A_149 = arith.constant 0 : i32
    %dma_start3A_150 = tpu.memref_slice %arg7[%dma_start3A_149] : memref<20480xf32, #tpu.memory_space<vmem>> -> memref<1960xf32, #tpu.memory_space<vmem>>
    %dma_start3A_151 = tpu.memref_slice %arg3[%multiple_of3A_139] : memref<2684354xf32, #tpu.memory_space<hbm>> -> memref<1960xf32, #tpu.memory_space<hbm>>
    tpu.enqueue_dma source(%dma_start3A_151 : memref<1960xf32, #tpu.memory_space<hbm>>) target(%dma_start3A_150 : memref<1960xf32, #tpu.memory_space<vmem>>) target_semaphore(%arg13 : memref<!tpu.dma_semaphore, #tpu.memory_space<semaphore_mem>>)
    %dma_wait3A_152 = arith.constant 0 : i32
    %dma_wait3A_153 = tpu.memref_slice %arg6[%dma_wait3A_152] : memref<20480xf32, #tpu.memory_space<vmem>> -> memref<20480xf32, #tpu.memory_space<vmem>>
    %dma_wait3A_154 = tpu.memref_slice %arg2[%multiple_of3A_94] : memref<2684354xf32, #tpu.memory_space<hbm>> -> memref<20480xf32, #tpu.memory_space<hbm>>
    %dma_wait3A_155 = arith.constant 0 : i32
    %dma_wait3A_156 = tpu.memref_slice %arg6[%dma_wait3A_155] : memref<20480xf32, #tpu.memory_space<vmem>> -> memref<20480xf32, #tpu.memory_space<vmem>>
    %dma_wait3A_157 = tpu.memref_slice %arg2[%multiple_of3A_94] : memref<2684354xf32, #tpu.memory_space<hbm>> -> memref<20480xf32, #tpu.memory_space<hbm>>
    tpu.wait_dma2 semaphore(%arg12 : memref<!tpu.dma_semaphore, #tpu.memory_space<semaphore_mem>>) src(%dma_wait3A_157 : memref<20480xf32, #tpu.memory_space<hbm>>) dst(%dma_wait3A_156 : memref<20480xf32, #tpu.memory_space<vmem>>)
    %dma_wait3A_158 = arith.constant 0 : i32
    %dma_wait3A_159 = tpu.memref_slice %arg8[%dma_wait3A_158] : memref<20480xf32, #tpu.memory_space<vmem>> -> memref<20480xf32, #tpu.memory_space<vmem>>
    %dma_wait3A_160 = tpu.memref_slice %arg3[%multiple_of3A_94] : memref<2684354xf32, #tpu.memory_space<hbm>> -> memref<20480xf32, #tpu.memory_space<hbm>>
    %dma_wait3A_161 = arith.constant 0 : i32
    %dma_wait3A_162 = tpu.memref_slice %arg8[%dma_wait3A_161] : memref<20480xf32, #tpu.memory_space<vmem>> -> memref<20480xf32, #tpu.memory_space<vmem>>
    %dma_wait3A_163 = tpu.memref_slice %arg3[%multiple_of3A_94] : memref<2684354xf32, #tpu.memory_space<hbm>> -> memref<20480xf32, #tpu.memory_space<hbm>>
    tpu.wait_dma2 semaphore(%arg14 : memref<!tpu.dma_semaphore, #tpu.memory_space<semaphore_mem>>) src(%dma_wait3A_163 : memref<20480xf32, #tpu.memory_space<hbm>>) dst(%dma_wait3A_162 : memref<20480xf32, #tpu.memory_space<vmem>>)
    %dma_wait3A_164 = arith.constant 0 : i32
    %dma_wait3A_165 = tpu.memref_slice %arg10[%dma_wait3A_164] : memref<20480xf32, #tpu.memory_space<vmem>> -> memref<20480xf32, #tpu.memory_space<vmem>>
    %dma_wait3A_166 = tpu.memref_slice %arg4[%multiple_of3A_85] : memref<2684354xf32, #tpu.memory_space<hbm>> -> memref<20480xf32, #tpu.memory_space<hbm>>
    %dma_wait3A_167 = tpu.memref_slice %arg4[%multiple_of3A_85] : memref<2684354xf32, #tpu.memory_space<hbm>> -> memref<20480xf32, #tpu.memory_space<hbm>>
    %dma_wait3A_168 = arith.constant 0 : i32
    %dma_wait3A_169 = tpu.memref_slice %arg10[%dma_wait3A_168] : memref<20480xf32, #tpu.memory_space<vmem>> -> memref<20480xf32, #tpu.memory_space<vmem>>
    tpu.wait_dma2 semaphore(%arg16 : memref<!tpu.dma_semaphore, #tpu.memory_space<semaphore_mem>>) src(%dma_wait3A_169 : memref<20480xf32, #tpu.memory_space<vmem>>) dst(%dma_wait3A_167 : memref<20480xf32, #tpu.memory_space<hbm>>)
    %parallel_loop3A_170 = arith.constant 0 : i32
    %parallel_loop3A_171 = arith.constant 1280 : i32
    %parallel_loop3A_172 = arith.constant 1 : i32
    scf.for %parallel_loop3A_226 = %parallel_loop3A_170 to %parallel_loop3A_171 step %parallel_loop3A_172  : i32 {
      %parallel_loop3A_227 = arith.constant 16 : i32
      %parallel_loop3A_228 = arith.muli %parallel_loop3A_226, %parallel_loop3A_227 : i32
      %parallel_loop3A_229 = arith.index_cast %parallel_loop3A_228 : i32 to index
      %parallel_loop3A_230 = tpu.vector_load %arg8[%parallel_loop3A_229] {strides = array<i32>} : memref<20480xf32, #tpu.memory_space<vmem>>, vector<16xf32>,
      %parallel_loop3A_231 = vector.shape_cast %parallel_loop3A_230 : vector<16xf32> to vector<16xf32>
      %parallel_loop3A_232 = arith.constant 5.000000e-01 : f32
      %parallel_loop3A_233 = vector.broadcast %parallel_loop3A_232 : f32 to vector<16xf32>
      %parallel_loop3A_234 = arith.cmpf oge, %parallel_loop3A_231, %parallel_loop3A_233 : vector<16xf32>
      %parallel_loop3A_235 = arith.index_cast %parallel_loop3A_228 : i32 to index
      %parallel_loop3A_236 = tpu.vector_load %arg6[%parallel_loop3A_235] {strides = array<i32>} : memref<20480xf32, #tpu.memory_space<vmem>>, vector<16xf32>,
      %parallel_loop3A_237 = vector.shape_cast %parallel_loop3A_236 : vector<16xf32> to vector<16xf32>
      %parallel_loop3A_238 = arith.constant 2.000000e+00 : f32
      %parallel_loop3A_239 = vector.broadcast %parallel_loop3A_238 : f32 to vector<16xf32>
      %parallel_loop3A_240 = arith.mulf %parallel_loop3A_237, %parallel_loop3A_239 : vector<16xf32>
      %parallel_loop3A_241 = arith.constant 0.000000e+00 : f32
      %parallel_loop3A_242 = vector.broadcast %parallel_loop3A_241 : f32 to vector<16xf32>
      %parallel_loop3A_243 = arith.select %parallel_loop3A_234, %parallel_loop3A_240, %parallel_loop3A_242 : vector<16xi1>, vector<16xf32>
      %parallel_loop3A_244 = arith.index_cast %parallel_loop3A_228 : i32 to index
      %parallel_loop3A_245 = tpu.vector_load %arg10[%parallel_loop3A_244] {strides = array<i32>} : memref<20480xf32, #tpu.memory_space<vmem>>, vector<16xf32>,
      %parallel_loop3A_246 = vector.shape_cast %parallel_loop3A_245 : vector<16xf32> to vector<16xf32>
      %parallel_loop3A_247 = vector.shape_cast %parallel_loop3A_243 : vector<16xf32> to vector<16xf32>
      tpu.vector_store %arg10[%parallel_loop3A_244], %parallel_loop3A_247 {strides = array<i32>} : memref<20480xf32, #tpu.memory_space<vmem>>, vector<16xf32>,
    } {sc.loop_unroll_factor = 16 : i64, sc.parallel_access}
    %add3A_173 = arith.constant 61440 : i32
    %add3A_174 = arith.addi %mul3A_2, %add3A_173 : i32
    %multiple_of3A_175 = tpu.assume_multiple %add3A_174, 8 : i32
    %dma_start3A_176 = arith.constant 0 : i32
    %dma_start3A_177 = tpu.memref_slice %arg10[%dma_start3A_176] : memref<20480xf32, #tpu.memory_space<vmem>> -> memref<20480xf32, #tpu.memory_space<vmem>>
    %dma_start3A_178 = tpu.memref_slice %arg4[%multiple_of3A_175] : memref<2684354xf32, #tpu.memory_space<hbm>> -> memref<20480xf32, #tpu.memory_space<hbm>>
    %dma_start3A_179 = tpu.memref_slice %arg4[%multiple_of3A_175] : memref<2684354xf32, #tpu.memory_space<hbm>> -> memref<20480xf32, #tpu.memory_space<hbm>>
    %dma_start3A_180 = arith.constant 0 : i32
    %dma_start3A_181 = tpu.memref_slice %arg10[%dma_start3A_180] : memref<20480xf32, #tpu.memory_space<vmem>> -> memref<20480xf32, #tpu.memory_space<vmem>>
    tpu.enqueue_dma source(%dma_start3A_181 : memref<20480xf32, #tpu.memory_space<vmem>>) target(%dma_start3A_179 : memref<20480xf32, #tpu.memory_space<hbm>>) target_semaphore(%arg16 : memref<!tpu.dma_semaphore, #tpu.memory_space<semaphore_mem>>)
    %dma_wait3A_182 = arith.constant 0 : i32
    %dma_wait3A_183 = tpu.memref_slice %arg5[%dma_wait3A_182] : memref<20480xf32, #tpu.memory_space<vmem>> -> memref<1960xf32, #tpu.memory_space<vmem>>
    %dma_wait3A_184 = tpu.memref_slice %arg2[%multiple_of3A_139] : memref<2684354xf32, #tpu.memory_space<hbm>> -> memref<1960xf32, #tpu.memory_space<hbm>>
    %dma_wait3A_185 = arith.constant 0 : i32
    %dma_wait3A_186 = tpu.memref_slice %arg5[%dma_wait3A_185] : memref<20480xf32, #tpu.memory_space<vmem>> -> memref<1960xf32, #tpu.memory_space<vmem>>
    %dma_wait3A_187 = tpu.memref_slice %arg2[%multiple_of3A_139] : memref<2684354xf32, #tpu.memory_space<hbm>> -> memref<1960xf32, #tpu.memory_space<hbm>>
    tpu.wait_dma2 semaphore(%arg11 : memref<!tpu.dma_semaphore, #tpu.memory_space<semaphore_mem>>) src(%dma_wait3A_187 : memref<1960xf32, #tpu.memory_space<hbm>>) dst(%dma_wait3A_186 : memref<1960xf32, #tpu.memory_space<vmem>>)
    %dma_wait3A_188 = arith.constant 0 : i32
    %dma_wait3A_189 = tpu.memref_slice %arg7[%dma_wait3A_188] : memref<20480xf32, #tpu.memory_space<vmem>> -> memref<1960xf32, #tpu.memory_space<vmem>>
    %dma_wait3A_190 = tpu.memref_slice %arg3[%multiple_of3A_139] : memref<2684354xf32, #tpu.memory_space<hbm>> -> memref<1960xf32, #tpu.memory_space<hbm>>
    %dma_wait3A_191 = arith.constant 0 : i32
    %dma_wait3A_192 = tpu.memref_slice %arg7[%dma_wait3A_191] : memref<20480xf32, #tpu.memory_space<vmem>> -> memref<1960xf32, #tpu.memory_space<vmem>>
    %dma_wait3A_193 = tpu.memref_slice %arg3[%multiple_of3A_139] : memref<2684354xf32, #tpu.memory_space<hbm>> -> memref<1960xf32, #tpu.memory_space<hbm>>
    tpu.wait_dma2 semaphore(%arg13 : memref<!tpu.dma_semaphore, #tpu.memory_space<semaphore_mem>>) src(%dma_wait3A_193 : memref<1960xf32, #tpu.memory_space<hbm>>) dst(%dma_wait3A_192 : memref<1960xf32, #tpu.memory_space<vmem>>)
    %dma_wait3A_194 = arith.constant 0 : i32
    %dma_wait3A_195 = tpu.memref_slice %arg9[%dma_wait3A_194] : memref<20480xf32, #tpu.memory_space<vmem>> -> memref<20480xf32, #tpu.memory_space<vmem>>
    %dma_wait3A_196 = tpu.memref_slice %arg4[%multiple_of3A_130] : memref<2684354xf32, #tpu.memory_space<hbm>> -> memref<20480xf32, #tpu.memory_space<hbm>>
    %dma_wait3A_197 = tpu.memref_slice %arg4[%multiple_of3A_130] : memref<2684354xf32, #tpu.memory_space<hbm>> -> memref<20480xf32, #tpu.memory_space<hbm>>
    %dma_wait3A_198 = arith.constant 0 : i32
    %dma_wait3A_199 = tpu.memref_slice %arg9[%dma_wait3A_198] : memref<20480xf32, #tpu.memory_space<vmem>> -> memref<20480xf32, #tpu.memory_space<vmem>>
    tpu.wait_dma2 semaphore(%arg15 : memref<!tpu.dma_semaphore, #tpu.memory_space<semaphore_mem>>) src(%dma_wait3A_199 : memref<20480xf32, #tpu.memory_space<vmem>>) dst(%dma_wait3A_197 : memref<20480xf32, #tpu.memory_space<hbm>>)
    %parallel_loop3A_200 = arith.constant 0 : i32
    %parallel_loop3A_201 = arith.constant 123 : i32
    %parallel_loop3A_202 = arith.constant 1 : i32
    scf.for %parallel_loop3A_226 = %parallel_loop3A_200 to %parallel_loop3A_201 step %parallel_loop3A_202  : i32 {
      %parallel_loop3A_227 = arith.constant 16 : i32
      %parallel_loop3A_228 = arith.muli %parallel_loop3A_226, %parallel_loop3A_227 : i32
      %parallel_loop3A_229 = arith.index_cast %parallel_loop3A_228 : i32 to index
      %parallel_loop3A_230 = tpu.vector_load %arg7[%parallel_loop3A_229] {strides = array<i32>} : memref<20480xf32, #tpu.memory_space<vmem>>, vector<16xf32>,
      %parallel_loop3A_231 = vector.shape_cast %parallel_loop3A_230 : vector<16xf32> to vector<16xf32>
      %parallel_loop3A_232 = arith.constant 5.000000e-01 : f32
      %parallel_loop3A_233 = vector.broadcast %parallel_loop3A_232 : f32 to vector<16xf32>
      %parallel_loop3A_234 = arith.cmpf oge, %parallel_loop3A_231, %parallel_loop3A_233 : vector<16xf32>
      %parallel_loop3A_235 = arith.index_cast %parallel_loop3A_228 : i32 to index
      %parallel_loop3A_236 = tpu.vector_load %arg5[%parallel_loop3A_235] {strides = array<i32>} : memref<20480xf32, #tpu.memory_space<vmem>>, vector<16xf32>,
      %parallel_loop3A_237 = vector.shape_cast %parallel_loop3A_236 : vector<16xf32> to vector<16xf32>
      %parallel_loop3A_238 = arith.constant 2.000000e+00 : f32
      %parallel_loop3A_239 = vector.broadcast %parallel_loop3A_238 : f32 to vector<16xf32>
      %parallel_loop3A_240 = arith.mulf %parallel_loop3A_237, %parallel_loop3A_239 : vector<16xf32>
      %parallel_loop3A_241 = arith.constant 0.000000e+00 : f32
      %parallel_loop3A_242 = vector.broadcast %parallel_loop3A_241 : f32 to vector<16xf32>
      %parallel_loop3A_243 = arith.select %parallel_loop3A_234, %parallel_loop3A_240, %parallel_loop3A_242 : vector<16xi1>, vector<16xf32>
      %parallel_loop3A_244 = arith.index_cast %parallel_loop3A_228 : i32 to index
      %parallel_loop3A_245 = tpu.vector_load %arg9[%parallel_loop3A_244] {strides = array<i32>} : memref<20480xf32, #tpu.memory_space<vmem>>, vector<16xf32>,
      %parallel_loop3A_246 = vector.shape_cast %parallel_loop3A_245 : vector<16xf32> to vector<16xf32>
      %parallel_loop3A_247 = vector.shape_cast %parallel_loop3A_243 : vector<16xf32> to vector<16xf32>
      tpu.vector_store %arg9[%parallel_loop3A_244], %parallel_loop3A_247 {strides = array<i32>} : memref<20480xf32, #tpu.memory_space<vmem>>, vector<16xf32>,
    } {sc.loop_unroll_factor = 16 : i64, sc.parallel_access}
    %add3A_203 = arith.constant 81920 : i32
    %add3A_204 = arith.addi %mul3A_2, %add3A_203 : i32
    %multiple_of3A_205 = tpu.assume_multiple %add3A_204, 8 : i32
    %dma_start3A_206 = arith.constant 0 : i32
    %dma_start3A_207 = tpu.memref_slice %arg9[%dma_start3A_206] : memref<20480xf32, #tpu.memory_space<vmem>> -> memref<1960xf32, #tpu.memory_space<vmem>>
    %dma_start3A_208 = tpu.memref_slice %arg4[%multiple_of3A_205] : memref<2684354xf32, #tpu.memory_space<hbm>> -> memref<1960xf32, #tpu.memory_space<hbm>>
    %dma_start3A_209 = tpu.memref_slice %arg4[%multiple_of3A_205] : memref<2684354xf32, #tpu.memory_space<hbm>> -> memref<1960xf32, #tpu.memory_space<hbm>>
    %dma_start3A_210 = arith.constant 0 : i32
    %dma_start3A_211 = tpu.memref_slice %arg9[%dma_start3A_210] : memref<20480xf32, #tpu.memory_space<vmem>> -> memref<1960xf32, #tpu.memory_space<vmem>>
    tpu.enqueue_dma source(%dma_start3A_211 : memref<1960xf32, #tpu.memory_space<vmem>>) target(%dma_start3A_209 : memref<1960xf32, #tpu.memory_space<hbm>>) target_semaphore(%arg15 : memref<!tpu.dma_semaphore, #tpu.memory_space<semaphore_mem>>)
    %dma_wait3A_212 = arith.constant 0 : i32
    %dma_wait3A_213 = tpu.memref_slice %arg10[%dma_wait3A_212] : memref<20480xf32, #tpu.memory_space<vmem>> -> memref<20480xf32, #tpu.memory_space<vmem>>
    %dma_wait3A_214 = tpu.memref_slice %arg4[%multiple_of3A_175] : memref<2684354xf32, #tpu.memory_space<hbm>> -> memref<20480xf32, #tpu.memory_space<hbm>>
    %dma_wait3A_215 = tpu.memref_slice %arg4[%multiple_of3A_175] : memref<2684354xf32, #tpu.memory_space<hbm>> -> memref<20480xf32, #tpu.memory_space<hbm>>
    %dma_wait3A_216 = arith.constant 0 : i32
    %dma_wait3A_217 = tpu.memref_slice %arg10[%dma_wait3A_216] : memref<20480xf32, #tpu.memory_space<vmem>> -> memref<20480xf32, #tpu.memory_space<vmem>>
    tpu.wait_dma2 semaphore(%arg16 : memref<!tpu.dma_semaphore, #tpu.memory_space<semaphore_mem>>) src(%dma_wait3A_217 : memref<20480xf32, #tpu.memory_space<vmem>>) dst(%dma_wait3A_215 : memref<20480xf32, #tpu.memory_space<hbm>>)
    %dma_wait3A_218 = arith.constant 0 : i32
    %dma_wait3A_219 = tpu.memref_slice %arg9[%dma_wait3A_218] : memref<20480xf32, #tpu.memory_space<vmem>> -> memref<1960xf32, #tpu.memory_space<vmem>>
    %dma_wait3A_220 = tpu.memref_slice %arg4[%multiple_of3A_205] : memref<2684354xf32, #tpu.memory_space<hbm>> -> memref<1960xf32, #tpu.memory_space<hbm>>
    %dma_wait3A_221 = tpu.memref_slice %arg4[%multiple_of3A_205] : memref<2684354xf32, #tpu.memory_space<hbm>> -> memref<1960xf32, #tpu.memory_space<hbm>>
    %dma_wait3A_222 = arith.constant 0 : i32
    %dma_wait3A_223 = tpu.memref_slice %arg9[%dma_wait3A_222] : memref<20480xf32, #tpu.memory_space<vmem>> -> memref<1960xf32, #tpu.memory_space<vmem>>
    tpu.wait_dma2 semaphore(%arg15 : memref<!tpu.dma_semaphore, #tpu.memory_space<semaphore_mem>>) src(%dma_wait3A_223 : memref<1960xf32, #tpu.memory_space<vmem>>) dst(%dma_wait3A_221 : memref<1960xf32, #tpu.memory_space<hbm>>)
    %eq3A = arith.constant 31 : i32
    %eq3A_224 = arith.cmpi eq, %add3A, %eq3A : i32
    %convert_element_type3A = arith.extui %eq3A_224 : i1 to i32
    %cond3A = arith.constant 0 : i32
    %cond3A_225 = arith.cmpi ne, %convert_element_type3A, %cond3A : i32
    scf.if %cond3A_225 {
      "tpu.region"() ({
        %run_scoped3A = tpu.sem_alloc : memref<!tpu.dma_semaphore, #tpu.memory_space<semaphore_mem>>
        %dma_start3A_467 = arith.constant 0 : i32
        %dma_start3A_468 = tpu.memref_slice %arg5[%dma_start3A_467] : memref<20480xf32, #tpu.memory_space<vmem>> -> memref<194xf32, #tpu.memory_space<vmem>>
        %dma_start3A_469 = arith.constant 2684160 : i32
        %dma_start3A_470 = tpu.memref_slice %arg2[%dma_start3A_469] : memref<2684354xf32, #tpu.memory_space<hbm>> -> memref<194xf32, #tpu.memory_space<hbm>>
        %dma_start3A_471 = arith.constant 0 : i32
        %dma_start3A_472 = tpu.memref_slice %arg5[%dma_start3A_471] : memref<20480xf32, #tpu.memory_space<vmem>> -> memref<194xf32, #tpu.memory_space<vmem>>
        %dma_start3A_473 = arith.constant 2684160 : i32
        %dma_start3A_474 = tpu.memref_slice %arg2[%dma_start3A_473] : memref<2684354xf32, #tpu.memory_space<hbm>> -> memref<194xf32, #tpu.memory_space<hbm>>
        tpu.enqueue_dma source(%dma_start3A_474 : memref<194xf32, #tpu.memory_space<hbm>>) target(%dma_start3A_472 : memref<194xf32, #tpu.memory_space<vmem>>) target_semaphore(%run_scoped3A : memref<!tpu.dma_semaphore, #tpu.memory_space<semaphore_mem>>)
        %dma_wait3A_475 = arith.constant 0 : i32
        %dma_wait3A_476 = tpu.memref_slice %arg5[%dma_wait3A_475] : memref<20480xf32, #tpu.memory_space<vmem>> -> memref<194xf32, #tpu.memory_space<vmem>>
        %dma_wait3A_477 = arith.constant 2684160 : i32
        %dma_wait3A_478 = tpu.memref_slice %arg2[%dma_wait3A_477] : memref<2684354xf32, #tpu.memory_space<hbm>> -> memref<194xf32, #tpu.memory_space<hbm>>
        %dma_wait3A_479 = arith.constant 0 : i32
        %dma_wait3A_480 = tpu.memref_slice %arg5[%dma_wait3A_479] : memref<20480xf32, #tpu.memory_space<vmem>> -> memref<194xf32, #tpu.memory_space<vmem>>
        %dma_wait3A_481 = arith.constant 2684160 : i32
        %dma_wait3A_482 = tpu.memref_slice %arg2[%dma_wait3A_481] : memref<2684354xf32, #tpu.memory_space<hbm>> -> memref<194xf32, #tpu.memory_space<hbm>>
        tpu.wait_dma2 semaphore(%run_scoped3A : memref<!tpu.dma_semaphore, #tpu.memory_space<semaphore_mem>>) src(%dma_wait3A_482 : memref<194xf32, #tpu.memory_space<hbm>>) dst(%dma_wait3A_480 : memref<194xf32, #tpu.memory_space<vmem>>)
        tpu.yield
      }) : () -> ()
      "tpu.region"() ({
        %run_scoped3A = tpu.sem_alloc : memref<!tpu.dma_semaphore, #tpu.memory_space<semaphore_mem>>
        %dma_start3A_467 = arith.constant 0 : i32
        %dma_start3A_468 = tpu.memref_slice %arg7[%dma_start3A_467] : memref<20480xf32, #tpu.memory_space<vmem>> -> memref<194xf32, #tpu.memory_space<vmem>>
        %dma_start3A_469 = arith.constant 2684160 : i32
        %dma_start3A_470 = tpu.memref_slice %arg3[%dma_start3A_469] : memref<2684354xf32, #tpu.memory_space<hbm>> -> memref<194xf32, #tpu.memory_space<hbm>>
        %dma_start3A_471 = arith.constant 0 : i32
        %dma_start3A_472 = tpu.memref_slice %arg7[%dma_start3A_471] : memref<20480xf32, #tpu.memory_space<vmem>> -> memref<194xf32, #tpu.memory_space<vmem>>
        %dma_start3A_473 = arith.constant 2684160 : i32
        %dma_start3A_474 = tpu.memref_slice %arg3[%dma_start3A_473] : memref<2684354xf32, #tpu.memory_space<hbm>> -> memref<194xf32, #tpu.memory_space<hbm>>
        tpu.enqueue_dma source(%dma_start3A_474 : memref<194xf32, #tpu.memory_space<hbm>>) target(%dma_start3A_472 : memref<194xf32, #tpu.memory_space<vmem>>) target_semaphore(%run_scoped3A : memref<!tpu.dma_semaphore, #tpu.memory_space<semaphore_mem>>)
        %dma_wait3A_475 = arith.constant 0 : i32
        %dma_wait3A_476 = tpu.memref_slice %arg7[%dma_wait3A_475] : memref<20480xf32, #tpu.memory_space<vmem>> -> memref<194xf32, #tpu.memory_space<vmem>>
        %dma_wait3A_477 = arith.constant 2684160 : i32
        %dma_wait3A_478 = tpu.memref_slice %arg3[%dma_wait3A_477] : memref<2684354xf32, #tpu.memory_space<hbm>> -> memref<194xf32, #tpu.memory_space<hbm>>
        %dma_wait3A_479 = arith.constant 0 : i32
        %dma_wait3A_480 = tpu.memref_slice %arg7[%dma_wait3A_479] : memref<20480xf32, #tpu.memory_space<vmem>> -> memref<194xf32, #tpu.memory_space<vmem>>
        %dma_wait3A_481 = arith.constant 2684160 : i32
        %dma_wait3A_482 = tpu.memref_slice %arg3[%dma_wait3A_481] : memref<2684354xf32, #tpu.memory_space<hbm>> -> memref<194xf32, #tpu.memory_space<hbm>>
        tpu.wait_dma2 semaphore(%run_scoped3A : memref<!tpu.dma_semaphore, #tpu.memory_space<semaphore_mem>>) src(%dma_wait3A_482 : memref<194xf32, #tpu.memory_space<hbm>>) dst(%dma_wait3A_480 : memref<194xf32, #tpu.memory_space<vmem>>)
        tpu.yield
      }) : () -> ()
      %get3A = arith.constant 0 : index
      %get3A_226 = tpu.vector_load %arg7[%get3A] {strides = array<i32>} : memref<20480xf32, #tpu.memory_space<vmem>>, vector<16xf32>,
      %get3A_227 = vector.shape_cast %get3A_226 : vector<16xf32> to vector<16xf32>
      %ge3A = arith.constant 5.000000e-01 : f32
      %ge3A_228 = vector.broadcast %ge3A : f32 to vector<16xf32>
      %ge3A_229 = arith.cmpf oge, %get3A_227, %ge3A_228 : vector<16xf32>
      %get3A_230 = arith.constant 0 : index
      %get3A_231 = tpu.vector_load %arg5[%get3A_230] {strides = array<i32>} : memref<20480xf32, #tpu.memory_space<vmem>>, vector<16xf32>,
      %get3A_232 = vector.shape_cast %get3A_231 : vector<16xf32> to vector<16xf32>
      %mul3A_233 = arith.constant 2.000000e+00 : f32
      %mul3A_234 = vector.broadcast %mul3A_233 : f32 to vector<16xf32>
      %mul3A_235 = arith.mulf %get3A_232, %mul3A_234 : vector<16xf32>
      %jit3A = arith.constant 0.000000e+00 : f32
      %broadcast_in_dim3A = vector.broadcast %jit3A : f32 to vector<16xf32>
      %select_n3A = arith.select %ge3A_229, %mul3A_235, %broadcast_in_dim3A : vector<16xi1>, vector<16xf32>
      %swap3A = arith.constant 0 : index
      %swap3A_236 = tpu.vector_load %arg9[%swap3A] {strides = array<i32>} : memref<20480xf32, #tpu.memory_space<vmem>>, vector<16xf32>,
      %swap3A_237 = vector.shape_cast %swap3A_236 : vector<16xf32> to vector<16xf32>
      %swap3A_238 = vector.shape_cast %select_n3A : vector<16xf32> to vector<16xf32>
      tpu.vector_store %arg9[%swap3A], %swap3A_238 {strides = array<i32>} : memref<20480xf32, #tpu.memory_space<vmem>>, vector<16xf32>,
      %get3A_239 = arith.constant 16 : index
      %get3A_240 = tpu.vector_load %arg7[%get3A_239] {strides = array<i32>} : memref<20480xf32, #tpu.memory_space<vmem>>, vector<16xf32>,
      %get3A_241 = vector.shape_cast %get3A_240 : vector<16xf32> to vector<16xf32>
      %ge3A_242 = arith.constant 5.000000e-01 : f32
      %ge3A_243 = vector.broadcast %ge3A_242 : f32 to vector<16xf32>
      %ge3A_244 = arith.cmpf oge, %get3A_241, %ge3A_243 : vector<16xf32>
      %get3A_245 = arith.constant 16 : index
      %get3A_246 = tpu.vector_load %arg5[%get3A_245] {strides = array<i32>} : memref<20480xf32, #tpu.memory_space<vmem>>, vector<16xf32>,
      %get3A_247 = vector.shape_cast %get3A_246 : vector<16xf32> to vector<16xf32>
      %mul3A_248 = arith.constant 2.000000e+00 : f32
      %mul3A_249 = vector.broadcast %mul3A_248 : f32 to vector<16xf32>
      %mul3A_250 = arith.mulf %get3A_247, %mul3A_249 : vector<16xf32>
      %jit3A_251 = arith.constant 0.000000e+00 : f32
      %broadcast_in_dim3A_252 = vector.broadcast %jit3A_251 : f32 to vector<16xf32>
      %select_n3A_253 = arith.select %ge3A_244, %mul3A_250, %broadcast_in_dim3A_252 : vector<16xi1>, vector<16xf32>
      %swap3A_254 = arith.constant 16 : index
      %swap3A_255 = tpu.vector_load %arg9[%swap3A_254] {strides = array<i32>} : memref<20480xf32, #tpu.memory_space<vmem>>, vector<16xf32>,
      %swap3A_256 = vector.shape_cast %swap3A_255 : vector<16xf32> to vector<16xf32>
      %swap3A_257 = vector.shape_cast %select_n3A_253 : vector<16xf32> to vector<16xf32>
      tpu.vector_store %arg9[%swap3A_254], %swap3A_257 {strides = array<i32>} : memref<20480xf32, #tpu.memory_space<vmem>>, vector<16xf32>,
      %get3A_258 = arith.constant 32 : index
      %get3A_259 = tpu.vector_load %arg7[%get3A_258] {strides = array<i32>} : memref<20480xf32, #tpu.memory_space<vmem>>, vector<16xf32>,
      %get3A_260 = vector.shape_cast %get3A_259 : vector<16xf32> to vector<16xf32>
      %ge3A_261 = arith.constant 5.000000e-01 : f32
      %ge3A_262 = vector.broadcast %ge3A_261 : f32 to vector<16xf32>
      %ge3A_263 = arith.cmpf oge, %get3A_260, %ge3A_262 : vector<16xf32>
      %get3A_264 = arith.constant 32 : index
      %get3A_265 = tpu.vector_load %arg5[%get3A_264] {strides = array<i32>} : memref<20480xf32, #tpu.memory_space<vmem>>, vector<16xf32>,
      %get3A_266 = vector.shape_cast %get3A_265 : vector<16xf32> to vector<16xf32>
      %mul3A_267 = arith.constant 2.000000e+00 : f32
      %mul3A_268 = vector.broadcast %mul3A_267 : f32 to vector<16xf32>
      %mul3A_269 = arith.mulf %get3A_266, %mul3A_268 : vector<16xf32>
      %jit3A_270 = arith.constant 0.000000e+00 : f32
      %broadcast_in_dim3A_271 = vector.broadcast %jit3A_270 : f32 to vector<16xf32>
      %select_n3A_272 = arith.select %ge3A_263, %mul3A_269, %broadcast_in_dim3A_271 : vector<16xi1>, vector<16xf32>
      %swap3A_273 = arith.constant 32 : index
      %swap3A_274 = tpu.vector_load %arg9[%swap3A_273] {strides = array<i32>} : memref<20480xf32, #tpu.memory_space<vmem>>, vector<16xf32>,
      %swap3A_275 = vector.shape_cast %swap3A_274 : vector<16xf32> to vector<16xf32>
      %swap3A_276 = vector.shape_cast %select_n3A_272 : vector<16xf32> to vector<16xf32>
      tpu.vector_store %arg9[%swap3A_273], %swap3A_276 {strides = array<i32>} : memref<20480xf32, #tpu.memory_space<vmem>>, vector<16xf32>,
      %get3A_277 = arith.constant 48 : index
      %get3A_278 = tpu.vector_load %arg7[%get3A_277] {strides = array<i32>} : memref<20480xf32, #tpu.memory_space<vmem>>, vector<16xf32>,
      %get3A_279 = vector.shape_cast %get3A_278 : vector<16xf32> to vector<16xf32>
      %ge3A_280 = arith.constant 5.000000e-01 : f32
      %ge3A_281 = vector.broadcast %ge3A_280 : f32 to vector<16xf32>
      %ge3A_282 = arith.cmpf oge, %get3A_279, %ge3A_281 : vector<16xf32>
      %get3A_283 = arith.constant 48 : index
      %get3A_284 = tpu.vector_load %arg5[%get3A_283] {strides = array<i32>} : memref<20480xf32, #tpu.memory_space<vmem>>, vector<16xf32>,
      %get3A_285 = vector.shape_cast %get3A_284 : vector<16xf32> to vector<16xf32>
      %mul3A_286 = arith.constant 2.000000e+00 : f32
      %mul3A_287 = vector.broadcast %mul3A_286 : f32 to vector<16xf32>
      %mul3A_288 = arith.mulf %get3A_285, %mul3A_287 : vector<16xf32>
      %jit3A_289 = arith.constant 0.000000e+00 : f32
      %broadcast_in_dim3A_290 = vector.broadcast %jit3A_289 : f32 to vector<16xf32>
      %select_n3A_291 = arith.select %ge3A_282, %mul3A_288, %broadcast_in_dim3A_290 : vector<16xi1>, vector<16xf32>
      %swap3A_292 = arith.constant 48 : index
      %swap3A_293 = tpu.vector_load %arg9[%swap3A_292] {strides = array<i32>} : memref<20480xf32, #tpu.memory_space<vmem>>, vector<16xf32>,
      %swap3A_294 = vector.shape_cast %swap3A_293 : vector<16xf32> to vector<16xf32>
      %swap3A_295 = vector.shape_cast %select_n3A_291 : vector<16xf32> to vector<16xf32>
      tpu.vector_store %arg9[%swap3A_292], %swap3A_295 {strides = array<i32>} : memref<20480xf32, #tpu.memory_space<vmem>>, vector<16xf32>,
      %get3A_296 = arith.constant 64 : index
      %get3A_297 = tpu.vector_load %arg7[%get3A_296] {strides = array<i32>} : memref<20480xf32, #tpu.memory_space<vmem>>, vector<16xf32>,
      %get3A_298 = vector.shape_cast %get3A_297 : vector<16xf32> to vector<16xf32>
      %ge3A_299 = arith.constant 5.000000e-01 : f32
      %ge3A_300 = vector.broadcast %ge3A_299 : f32 to vector<16xf32>
      %ge3A_301 = arith.cmpf oge, %get3A_298, %ge3A_300 : vector<16xf32>
      %get3A_302 = arith.constant 64 : index
      %get3A_303 = tpu.vector_load %arg5[%get3A_302] {strides = array<i32>} : memref<20480xf32, #tpu.memory_space<vmem>>, vector<16xf32>,
      %get3A_304 = vector.shape_cast %get3A_303 : vector<16xf32> to vector<16xf32>
      %mul3A_305 = arith.constant 2.000000e+00 : f32
      %mul3A_306 = vector.broadcast %mul3A_305 : f32 to vector<16xf32>
      %mul3A_307 = arith.mulf %get3A_304, %mul3A_306 : vector<16xf32>
      %jit3A_308 = arith.constant 0.000000e+00 : f32
      %broadcast_in_dim3A_309 = vector.broadcast %jit3A_308 : f32 to vector<16xf32>
      %select_n3A_310 = arith.select %ge3A_301, %mul3A_307, %broadcast_in_dim3A_309 : vector<16xi1>, vector<16xf32>
      %swap3A_311 = arith.constant 64 : index
      %swap3A_312 = tpu.vector_load %arg9[%swap3A_311] {strides = array<i32>} : memref<20480xf32, #tpu.memory_space<vmem>>, vector<16xf32>,
      %swap3A_313 = vector.shape_cast %swap3A_312 : vector<16xf32> to vector<16xf32>
      %swap3A_314 = vector.shape_cast %select_n3A_310 : vector<16xf32> to vector<16xf32>
      tpu.vector_store %arg9[%swap3A_311], %swap3A_314 {strides = array<i32>} : memref<20480xf32, #tpu.memory_space<vmem>>, vector<16xf32>,
      %get3A_315 = arith.constant 80 : index
      %get3A_316 = tpu.vector_load %arg7[%get3A_315] {strides = array<i32>} : memref<20480xf32, #tpu.memory_space<vmem>>, vector<16xf32>,
      %get3A_317 = vector.shape_cast %get3A_316 : vector<16xf32> to vector<16xf32>
      %ge3A_318 = arith.constant 5.000000e-01 : f32
      %ge3A_319 = vector.broadcast %ge3A_318 : f32 to vector<16xf32>
      %ge3A_320 = arith.cmpf oge, %get3A_317, %ge3A_319 : vector<16xf32>
      %get3A_321 = arith.constant 80 : index
      %get3A_322 = tpu.vector_load %arg5[%get3A_321] {strides = array<i32>} : memref<20480xf32, #tpu.memory_space<vmem>>, vector<16xf32>,
      %get3A_323 = vector.shape_cast %get3A_322 : vector<16xf32> to vector<16xf32>
      %mul3A_324 = arith.constant 2.000000e+00 : f32
      %mul3A_325 = vector.broadcast %mul3A_324 : f32 to vector<16xf32>
      %mul3A_326 = arith.mulf %get3A_323, %mul3A_325 : vector<16xf32>
      %jit3A_327 = arith.constant 0.000000e+00 : f32
      %broadcast_in_dim3A_328 = vector.broadcast %jit3A_327 : f32 to vector<16xf32>
      %select_n3A_329 = arith.select %ge3A_320, %mul3A_326, %broadcast_in_dim3A_328 : vector<16xi1>, vector<16xf32>
      %swap3A_330 = arith.constant 80 : index
      %swap3A_331 = tpu.vector_load %arg9[%swap3A_330] {strides = array<i32>} : memref<20480xf32, #tpu.memory_space<vmem>>, vector<16xf32>,
      %swap3A_332 = vector.shape_cast %swap3A_331 : vector<16xf32> to vector<16xf32>
      %swap3A_333 = vector.shape_cast %select_n3A_329 : vector<16xf32> to vector<16xf32>
      tpu.vector_store %arg9[%swap3A_330], %swap3A_333 {strides = array<i32>} : memref<20480xf32, #tpu.memory_space<vmem>>, vector<16xf32>,
      %get3A_334 = arith.constant 96 : index
      %get3A_335 = tpu.vector_load %arg7[%get3A_334] {strides = array<i32>} : memref<20480xf32, #tpu.memory_space<vmem>>, vector<16xf32>,
      %get3A_336 = vector.shape_cast %get3A_335 : vector<16xf32> to vector<16xf32>
      %ge3A_337 = arith.constant 5.000000e-01 : f32
      %ge3A_338 = vector.broadcast %ge3A_337 : f32 to vector<16xf32>
      %ge3A_339 = arith.cmpf oge, %get3A_336, %ge3A_338 : vector<16xf32>
      %get3A_340 = arith.constant 96 : index
      %get3A_341 = tpu.vector_load %arg5[%get3A_340] {strides = array<i32>} : memref<20480xf32, #tpu.memory_space<vmem>>, vector<16xf32>,
      %get3A_342 = vector.shape_cast %get3A_341 : vector<16xf32> to vector<16xf32>
      %mul3A_343 = arith.constant 2.000000e+00 : f32
      %mul3A_344 = vector.broadcast %mul3A_343 : f32 to vector<16xf32>
      %mul3A_345 = arith.mulf %get3A_342, %mul3A_344 : vector<16xf32>
      %jit3A_346 = arith.constant 0.000000e+00 : f32
      %broadcast_in_dim3A_347 = vector.broadcast %jit3A_346 : f32 to vector<16xf32>
      %select_n3A_348 = arith.select %ge3A_339, %mul3A_345, %broadcast_in_dim3A_347 : vector<16xi1>, vector<16xf32>
      %swap3A_349 = arith.constant 96 : index
      %swap3A_350 = tpu.vector_load %arg9[%swap3A_349] {strides = array<i32>} : memref<20480xf32, #tpu.memory_space<vmem>>, vector<16xf32>,
      %swap3A_351 = vector.shape_cast %swap3A_350 : vector<16xf32> to vector<16xf32>
      %swap3A_352 = vector.shape_cast %select_n3A_348 : vector<16xf32> to vector<16xf32>
      tpu.vector_store %arg9[%swap3A_349], %swap3A_352 {strides = array<i32>} : memref<20480xf32, #tpu.memory_space<vmem>>, vector<16xf32>,
      %get3A_353 = arith.constant 112 : index
      %get3A_354 = tpu.vector_load %arg7[%get3A_353] {strides = array<i32>} : memref<20480xf32, #tpu.memory_space<vmem>>, vector<16xf32>,
      %get3A_355 = vector.shape_cast %get3A_354 : vector<16xf32> to vector<16xf32>
      %ge3A_356 = arith.constant 5.000000e-01 : f32
      %ge3A_357 = vector.broadcast %ge3A_356 : f32 to vector<16xf32>
      %ge3A_358 = arith.cmpf oge, %get3A_355, %ge3A_357 : vector<16xf32>
      %get3A_359 = arith.constant 112 : index
      %get3A_360 = tpu.vector_load %arg5[%get3A_359] {strides = array<i32>} : memref<20480xf32, #tpu.memory_space<vmem>>, vector<16xf32>,
      %get3A_361 = vector.shape_cast %get3A_360 : vector<16xf32> to vector<16xf32>
      %mul3A_362 = arith.constant 2.000000e+00 : f32
      %mul3A_363 = vector.broadcast %mul3A_362 : f32 to vector<16xf32>
      %mul3A_364 = arith.mulf %get3A_361, %mul3A_363 : vector<16xf32>
      %jit3A_365 = arith.constant 0.000000e+00 : f32
      %broadcast_in_dim3A_366 = vector.broadcast %jit3A_365 : f32 to vector<16xf32>
      %select_n3A_367 = arith.select %ge3A_358, %mul3A_364, %broadcast_in_dim3A_366 : vector<16xi1>, vector<16xf32>
      %swap3A_368 = arith.constant 112 : index
      %swap3A_369 = tpu.vector_load %arg9[%swap3A_368] {strides = array<i32>} : memref<20480xf32, #tpu.memory_space<vmem>>, vector<16xf32>,
      %swap3A_370 = vector.shape_cast %swap3A_369 : vector<16xf32> to vector<16xf32>
      %swap3A_371 = vector.shape_cast %select_n3A_367 : vector<16xf32> to vector<16xf32>
      tpu.vector_store %arg9[%swap3A_368], %swap3A_371 {strides = array<i32>} : memref<20480xf32, #tpu.memory_space<vmem>>, vector<16xf32>,
      %get3A_372 = arith.constant 128 : index
      %get3A_373 = tpu.vector_load %arg7[%get3A_372] {strides = array<i32>} : memref<20480xf32, #tpu.memory_space<vmem>>, vector<16xf32>,
      %get3A_374 = vector.shape_cast %get3A_373 : vector<16xf32> to vector<16xf32>
      %ge3A_375 = arith.constant 5.000000e-01 : f32
      %ge3A_376 = vector.broadcast %ge3A_375 : f32 to vector<16xf32>
      %ge3A_377 = arith.cmpf oge, %get3A_374, %ge3A_376 : vector<16xf32>
      %get3A_378 = arith.constant 128 : index
      %get3A_379 = tpu.vector_load %arg5[%get3A_378] {strides = array<i32>} : memref<20480xf32, #tpu.memory_space<vmem>>, vector<16xf32>,
      %get3A_380 = vector.shape_cast %get3A_379 : vector<16xf32> to vector<16xf32>
      %mul3A_381 = arith.constant 2.000000e+00 : f32
      %mul3A_382 = vector.broadcast %mul3A_381 : f32 to vector<16xf32>
      %mul3A_383 = arith.mulf %get3A_380, %mul3A_382 : vector<16xf32>
      %jit3A_384 = arith.constant 0.000000e+00 : f32
      %broadcast_in_dim3A_385 = vector.broadcast %jit3A_384 : f32 to vector<16xf32>
      %select_n3A_386 = arith.select %ge3A_377, %mul3A_383, %broadcast_in_dim3A_385 : vector<16xi1>, vector<16xf32>
      %swap3A_387 = arith.constant 128 : index
      %swap3A_388 = tpu.vector_load %arg9[%swap3A_387] {strides = array<i32>} : memref<20480xf32, #tpu.memory_space<vmem>>, vector<16xf32>,
      %swap3A_389 = vector.shape_cast %swap3A_388 : vector<16xf32> to vector<16xf32>
      %swap3A_390 = vector.shape_cast %select_n3A_386 : vector<16xf32> to vector<16xf32>
      tpu.vector_store %arg9[%swap3A_387], %swap3A_390 {strides = array<i32>} : memref<20480xf32, #tpu.memory_space<vmem>>, vector<16xf32>,
      %get3A_391 = arith.constant 144 : index
      %get3A_392 = tpu.vector_load %arg7[%get3A_391] {strides = array<i32>} : memref<20480xf32, #tpu.memory_space<vmem>>, vector<16xf32>,
      %get3A_393 = vector.shape_cast %get3A_392 : vector<16xf32> to vector<16xf32>
      %ge3A_394 = arith.constant 5.000000e-01 : f32
      %ge3A_395 = vector.broadcast %ge3A_394 : f32 to vector<16xf32>
      %ge3A_396 = arith.cmpf oge, %get3A_393, %ge3A_395 : vector<16xf32>
      %get3A_397 = arith.constant 144 : index
      %get3A_398 = tpu.vector_load %arg5[%get3A_397] {strides = array<i32>} : memref<20480xf32, #tpu.memory_space<vmem>>, vector<16xf32>,
      %get3A_399 = vector.shape_cast %get3A_398 : vector<16xf32> to vector<16xf32>
      %mul3A_400 = arith.constant 2.000000e+00 : f32
      %mul3A_401 = vector.broadcast %mul3A_400 : f32 to vector<16xf32>
      %mul3A_402 = arith.mulf %get3A_399, %mul3A_401 : vector<16xf32>
      %jit3A_403 = arith.constant 0.000000e+00 : f32
      %broadcast_in_dim3A_404 = vector.broadcast %jit3A_403 : f32 to vector<16xf32>
      %select_n3A_405 = arith.select %ge3A_396, %mul3A_402, %broadcast_in_dim3A_404 : vector<16xi1>, vector<16xf32>
      %swap3A_406 = arith.constant 144 : index
      %swap3A_407 = tpu.vector_load %arg9[%swap3A_406] {strides = array<i32>} : memref<20480xf32, #tpu.memory_space<vmem>>, vector<16xf32>,
      %swap3A_408 = vector.shape_cast %swap3A_407 : vector<16xf32> to vector<16xf32>
      %swap3A_409 = vector.shape_cast %select_n3A_405 : vector<16xf32> to vector<16xf32>
      tpu.vector_store %arg9[%swap3A_406], %swap3A_409 {strides = array<i32>} : memref<20480xf32, #tpu.memory_space<vmem>>, vector<16xf32>,
      %get3A_410 = arith.constant 160 : index
      %get3A_411 = tpu.vector_load %arg7[%get3A_410] {strides = array<i32>} : memref<20480xf32, #tpu.memory_space<vmem>>, vector<16xf32>,
      %get3A_412 = vector.shape_cast %get3A_411 : vector<16xf32> to vector<16xf32>
      %ge3A_413 = arith.constant 5.000000e-01 : f32
      %ge3A_414 = vector.broadcast %ge3A_413 : f32 to vector<16xf32>
      %ge3A_415 = arith.cmpf oge, %get3A_412, %ge3A_414 : vector<16xf32>
      %get3A_416 = arith.constant 160 : index
      %get3A_417 = tpu.vector_load %arg5[%get3A_416] {strides = array<i32>} : memref<20480xf32, #tpu.memory_space<vmem>>, vector<16xf32>,
      %get3A_418 = vector.shape_cast %get3A_417 : vector<16xf32> to vector<16xf32>
      %mul3A_419 = arith.constant 2.000000e+00 : f32
      %mul3A_420 = vector.broadcast %mul3A_419 : f32 to vector<16xf32>
      %mul3A_421 = arith.mulf %get3A_418, %mul3A_420 : vector<16xf32>
      %jit3A_422 = arith.constant 0.000000e+00 : f32
      %broadcast_in_dim3A_423 = vector.broadcast %jit3A_422 : f32 to vector<16xf32>
      %select_n3A_424 = arith.select %ge3A_415, %mul3A_421, %broadcast_in_dim3A_423 : vector<16xi1>, vector<16xf32>
      %swap3A_425 = arith.constant 160 : index
      %swap3A_426 = tpu.vector_load %arg9[%swap3A_425] {strides = array<i32>} : memref<20480xf32, #tpu.memory_space<vmem>>, vector<16xf32>,
      %swap3A_427 = vector.shape_cast %swap3A_426 : vector<16xf32> to vector<16xf32>
      %swap3A_428 = vector.shape_cast %select_n3A_424 : vector<16xf32> to vector<16xf32>
      tpu.vector_store %arg9[%swap3A_425], %swap3A_428 {strides = array<i32>} : memref<20480xf32, #tpu.memory_space<vmem>>, vector<16xf32>,
      %get3A_429 = arith.constant 176 : index
      %get3A_430 = tpu.vector_load %arg7[%get3A_429] {strides = array<i32>} : memref<20480xf32, #tpu.memory_space<vmem>>, vector<16xf32>,
      %get3A_431 = vector.shape_cast %get3A_430 : vector<16xf32> to vector<16xf32>
      %ge3A_432 = arith.constant 5.000000e-01 : f32
      %ge3A_433 = vector.broadcast %ge3A_432 : f32 to vector<16xf32>
      %ge3A_434 = arith.cmpf oge, %get3A_431, %ge3A_433 : vector<16xf32>
      %get3A_435 = arith.constant 176 : index
      %get3A_436 = tpu.vector_load %arg5[%get3A_435] {strides = array<i32>} : memref<20480xf32, #tpu.memory_space<vmem>>, vector<16xf32>,
      %get3A_437 = vector.shape_cast %get3A_436 : vector<16xf32> to vector<16xf32>
      %mul3A_438 = arith.constant 2.000000e+00 : f32
      %mul3A_439 = vector.broadcast %mul3A_438 : f32 to vector<16xf32>
      %mul3A_440 = arith.mulf %get3A_437, %mul3A_439 : vector<16xf32>
      %jit3A_441 = arith.constant 0.000000e+00 : f32
      %broadcast_in_dim3A_442 = vector.broadcast %jit3A_441 : f32 to vector<16xf32>
      %select_n3A_443 = arith.select %ge3A_434, %mul3A_440, %broadcast_in_dim3A_442 : vector<16xi1>, vector<16xf32>
      %swap3A_444 = arith.constant 176 : index
      %swap3A_445 = tpu.vector_load %arg9[%swap3A_444] {strides = array<i32>} : memref<20480xf32, #tpu.memory_space<vmem>>, vector<16xf32>,
      %swap3A_446 = vector.shape_cast %swap3A_445 : vector<16xf32> to vector<16xf32>
      %swap3A_447 = vector.shape_cast %select_n3A_443 : vector<16xf32> to vector<16xf32>
      tpu.vector_store %arg9[%swap3A_444], %swap3A_447 {strides = array<i32>} : memref<20480xf32, #tpu.memory_space<vmem>>, vector<16xf32>,
      %get3A_448 = arith.constant 192 : index
      %get3A_449 = tpu.vector_load %arg7[%get3A_448] {strides = array<i32>} : memref<20480xf32, #tpu.memory_space<vmem>>, vector<16xf32>,
      %get3A_450 = vector.shape_cast %get3A_449 : vector<16xf32> to vector<16xf32>
      %ge3A_451 = arith.constant 5.000000e-01 : f32
      %ge3A_452 = vector.broadcast %ge3A_451 : f32 to vector<16xf32>
      %ge3A_453 = arith.cmpf oge, %get3A_450, %ge3A_452 : vector<16xf32>
      %get3A_454 = arith.constant 192 : index
      %get3A_455 = tpu.vector_load %arg5[%get3A_454] {strides = array<i32>} : memref<20480xf32, #tpu.memory_space<vmem>>, vector<16xf32>,
      %get3A_456 = vector.shape_cast %get3A_455 : vector<16xf32> to vector<16xf32>
      %mul3A_457 = arith.constant 2.000000e+00 : f32
      %mul3A_458 = vector.broadcast %mul3A_457 : f32 to vector<16xf32>
      %mul3A_459 = arith.mulf %get3A_456, %mul3A_458 : vector<16xf32>
      %jit3A_460 = arith.constant 0.000000e+00 : f32
      %broadcast_in_dim3A_461 = vector.broadcast %jit3A_460 : f32 to vector<16xf32>
      %select_n3A_462 = arith.select %ge3A_453, %mul3A_459, %broadcast_in_dim3A_461 : vector<16xi1>, vector<16xf32>
      %swap3A_463 = arith.constant 192 : index
      %swap3A_464 = tpu.vector_load %arg9[%swap3A_463] {strides = array<i32>} : memref<20480xf32, #tpu.memory_space<vmem>>, vector<16xf32>,
      %swap3A_465 = vector.shape_cast %swap3A_464 : vector<16xf32> to vector<16xf32>
      %swap3A_466 = vector.shape_cast %select_n3A_462 : vector<16xf32> to vector<16xf32>
      tpu.vector_store %arg9[%swap3A_463], %swap3A_466 {strides = array<i32>} : memref<20480xf32, #tpu.memory_space<vmem>>, vector<16xf32>,
      "tpu.region"() ({
        %run_scoped3A = tpu.sem_alloc : memref<!tpu.dma_semaphore, #tpu.memory_space<semaphore_mem>>
        %dma_start3A_467 = arith.constant 0 : i32
        %dma_start3A_468 = tpu.memref_slice %arg9[%dma_start3A_467] : memref<20480xf32, #tpu.memory_space<vmem>> -> memref<194xf32, #tpu.memory_space<vmem>>
        %dma_start3A_469 = arith.constant 2684160 : i32
        %dma_start3A_470 = tpu.memref_slice %arg4[%dma_start3A_469] : memref<2684354xf32, #tpu.memory_space<hbm>> -> memref<194xf32, #tpu.memory_space<hbm>>
        %dma_start3A_471 = arith.constant 2684160 : i32
        %dma_start3A_472 = tpu.memref_slice %arg4[%dma_start3A_471] : memref<2684354xf32, #tpu.memory_space<hbm>> -> memref<194xf32, #tpu.memory_space<hbm>>
        %dma_start3A_473 = arith.constant 0 : i32
        %dma_start3A_474 = tpu.memref_slice %arg9[%dma_start3A_473] : memref<20480xf32, #tpu.memory_space<vmem>> -> memref<194xf32, #tpu.memory_space<vmem>>
        tpu.enqueue_dma source(%dma_start3A_474 : memref<194xf32, #tpu.memory_space<vmem>>) target(%dma_start3A_472 : memref<194xf32, #tpu.memory_space<hbm>>) target_semaphore(%run_scoped3A : memref<!tpu.dma_semaphore, #tpu.memory_space<semaphore_mem>>)
        %dma_wait3A_475 = arith.constant 0 : i32
        %dma_wait3A_476 = tpu.memref_slice %arg9[%dma_wait3A_475] : memref<20480xf32, #tpu.memory_space<vmem>> -> memref<194xf32, #tpu.memory_space<vmem>>
        %dma_wait3A_477 = arith.constant 2684160 : i32
        %dma_wait3A_478 = tpu.memref_slice %arg4[%dma_wait3A_477] : memref<2684354xf32, #tpu.memory_space<hbm>> -> memref<194xf32, #tpu.memory_space<hbm>>
        %dma_wait3A_479 = arith.constant 2684160 : i32
        %dma_wait3A_480 = tpu.memref_slice %arg4[%dma_wait3A_479] : memref<2684354xf32, #tpu.memory_space<hbm>> -> memref<194xf32, #tpu.memory_space<hbm>>
        %dma_wait3A_481 = arith.constant 0 : i32
        %dma_wait3A_482 = tpu.memref_slice %arg9[%dma_wait3A_481] : memref<20480xf32, #tpu.memory_space<vmem>> -> memref<194xf32, #tpu.memory_space<vmem>>
        tpu.wait_dma2 semaphore(%run_scoped3A : memref<!tpu.dma_semaphore, #tpu.memory_space<semaphore_mem>>) src(%dma_wait3A_482 : memref<194xf32, #tpu.memory_space<vmem>>) dst(%dma_wait3A_480 : memref<194xf32, #tpu.memory_space<hbm>>)
        tpu.yield
      }) : () -> ()
    } else {
    }
    return
  }
}

</mosaic_0001>

<sc_bundles>
// kernel: kernel.3.cloned.1.call-start
scs
__scs_entry_jumppad:
0x0: {  	(pc) =	sbr.rel $0x88, $3  }
0x1: {  	(tag) =	ssettag $0x0;
	lr =	simm.s32 $0x1  }
0x2: {  	[smem:$0x3F9F] =	sst lr;
	_ =	strace $0xD0000000  }
0x3: {  	_ = 	snop  }
0x4: {  	_ = 	snop  }
0x5: {  	_ = 	snop  }
0x6: {  	_ = 	snop  }
0x7: {  	_ = 	snop  }
__scs_overlays_trampoline_lowered:
0x8: {  	[smem:$0x3FAE] =	sst s0  }
0x9: {  	[smem:$0x3FAF] =	sst s1  }
0xa: {  	[smem:$0x3FB0] =	sst s2  }
0xb: {  	[smem:$0x3FB1] =	sst s3  }
0xc: {  	[smem:$0x3FB2] =	sst s4  }
0xd: {  	[smem:$0x3FB3] =	sst s5  }
0xe: {  	[smem:$0x3FB4] =	sst s6  }
0xf: {  	[smem:$0x3FB5] =	sst s7  }
0x10: {  	[smem:$0x3FB6] =	sst s8  }
0x11: {  	[smem:$0x3FB7] =	sst s9;
	s0 =	simm.s32 @!p0 $0x0  }
0x12: {  	s1 =	sld [smem:$0x3F9D];
	s0 =	simm.s32 @p0 $0x1  }
0x13: {  	[smem:$0x3FB8] =	sst s0;
	s0 =	simm.s32 @!p1 $0x0  }
0x14: {  	s2 =	sld [smem:$0x3F9C];
	s0 =	simm.s32 @p1 $0x1  }
0x15: {  	[smem:$0x3FB9] =	sst s0;
	s0 =	simm.s32 @!p2 $0x0  }
0x16: {  	s3 =	sld [smem:$0x3FDB];
	s0 =	simm.s32 @p2 $0x1  }
0x17: {  	s4 =	simm.s32 $0x1BF5;
	[smem:$0x3FBB] =	sst s0  }
0x18: {  	s0 =	sld [smem:$0x3F9E];
	_ =	swait.ge [sflag:s4], $0x0  }
0x19: {  	s7 =	sld [smem:$0x3F9F]  }
0x1a: {  	s8 =	sadd.s32 $0xFFFFE003, lr  }
0x1b: {  	s9 =	sadd.s32 $0xFFFFFEF7, lr;
	s5 =	simm.s32 $0xFFFFFFFF;
	p2 =	slt.u32 s8, $0xFFFFF086  }
0x1c: {  	p1 =	slt.u32 s9, $0xF7A;
	s5 =	simm.s32 @!p2 $0x0  }
0x1d: {  	s5 =	simm.s32 @p1 $0x1;
	p0 =	seq.s32 s7, s2  }
0x1e: {  	s7 =	smul.u32 @!p0 $0xF7A, s2;
	p2 =	seq.s32 @!p0 s5, $0x0  }
0x1f: {  	s9 =	smul.u32 $0xF7A, s1;
	s8 =	simm.s32 @!p0 $0x1BF5;
	p2 =	por !p2, p0  }
0x20: {  	[sflag:s8] =	ssyncset.s32 @!p0 $0xFFFFF086;
	s6 =	sadd.s32 @!p0 s3, s7;
	s7 =	simm.s32 @!p0 $0x108  }
0x21: {  	s3 =	sadd.s32 s3, s9;
	s6 =	sadd.s32 @!p0 $0x88, s6;
	s7 =	simm.s32 @p2 $0x1082  }
0x22: {  	[simem:s7], [sflag:s8] =	dma.local @!p0 [hbm:s6], $0xF7A  }
0x23: {  	s9 =	sor.u32 $0xD0000000, s2;
	s6 =	simm.s32 $0x108;
	_ =	swait.ge @!p0 [sflag:s8], $0x0  }
0x24: {  	s3 =	sadd.s32 $0x88, s3;
	s6 =	simm.s32 @!p1 $0x1082;
	[sflag:s4] =	ssyncset.s32 $0xFFFFF086  }
0x25: {  	[simem:s6], [sflag:s4] =	dma.local [hbm:s3], $0xF7A  }
0x26: {  	[smem:$0x3F9F] =	sst s1;
	(tag) =	ssettag s2;
	_ =	strace s9  }
0x27: {  	s1 =	sld [smem:$0x3FAF]  }
0x28: {  	s2 =	sld [smem:$0x3FB0]  }
0x29: {  	s4 =	sld [smem:$0x3FB2]  }
0x2a: {  	p0 =	seq.s32 s5, $0x0;
	s5 =	sld [smem:$0x3FB3]  }
0x2b: {  	s6 =	sld [smem:$0x3FB4]  }
0x2c: {  	s7 =	sld [smem:$0x3FB5]  }
0x2d: {  	s3 =	simm.s32 $0x108;
	s8 =	sld [smem:$0x3FB6]  }
0x2e: {  	s3 =	simm.s32 @!p0 $0x1082;
	s9 =	sld [smem:$0x3FB7]  }
0x2f: {  	lr =	sadd.s32 s0, s3;
	s0 =	sld [smem:$0x3FAE]  }
0x30: {  	s3 =	sld [smem:$0x3FB1]  }
0x31: {  	[smem:$0x3FBA] =	sst s10  }
0x32: {  	s10 =	sld [smem:$0x3FB8];
	_ =	sdelay $0x3  }
0x33: {  	p0 =	seq.s32 s10, $0x1;
	s10 =	sld [smem:$0x3FBA];
	_ =	sdelay $0x3  }
0x34: {  	[smem:$0x3FBA] =	sst s10  }
0x35: {  	s10 =	sld [smem:$0x3FB9];
	_ =	sdelay $0x3  }
0x36: {  	p1 =	seq.s32 s10, $0x1;
	s10 =	sld [smem:$0x3FBA];
	_ =	sdelay $0x3  }
0x37: {  	[smem:$0x3FBA] =	sst s10  }
0x38: {  	s10 =	sld [smem:$0x3FBB]  }
0x39: {  	_ = 	snop;
	(pc) =	sbr.ind lr, $3  }
0x3a: {  	_ = 	snop  }
0x3b: {  	_ = 	snop  }
0x3c: {  	p2 =	seq.s32 s10, $0x1;
	s10 =	sld [smem:$0x3FBA]  }
0x3d: {  	_ =	shalt  }
0x3e: {  	_ =	shalt  }
0x3f: {  	_ =	shalt  }
0x40: {  	_ =	shalt  }
0x41: {  	_ =	shalt  }
0x42: {  	_ =	shalt  }
0x43: {  	_ =	shalt  }
0x44: {  	_ =	shalt  }
0x45: {  	_ =	shalt  }
0x46: {  	_ =	shalt  }
0x47: {  	_ =	shalt  }
0x48: {  	_ =	shalt  }
0x49: {  	_ =	shalt  }
0x4a: {  	_ =	shalt  }
0x4b: {  	_ =	shalt  }
0x4c: {  	_ =	shalt  }
0x4d: {  	_ =	shalt  }
0x4e: {  	_ =	shalt  }
0x4f: {  	_ =	shalt  }
0x50: {  	_ =	shalt  }
0x51: {  	_ =	shalt  }
0x52: {  	_ =	shalt  }
0x53: {  	_ =	shalt  }
0x54: {  	_ =	shalt  }
0x55: {  	_ =	shalt  }
0x56: {  	_ =	shalt  }
0x57: {  	_ =	shalt  }
0x58: {  	_ =	shalt  }
0x59: {  	_ =	shalt  }
0x5a: {  	_ =	shalt  }
0x5b: {  	_ =	shalt  }
0x5c: {  	_ =	shalt  }
0x5d: {  	_ =	shalt  }
0x5e: {  	_ =	shalt  }
0x5f: {  	_ =	shalt  }
0x60: {  	_ =	shalt  }
0x61: {  	_ =	shalt  }
0x62: {  	_ =	shalt  }
0x63: {  	_ =	shalt  }
0x64: {  	_ =	shalt  }
0x65: {  	_ =	shalt  }
0x66: {  	_ =	shalt  }
0x67: {  	_ =	shalt  }
0x68: {  	_ =	shalt  }
0x69: {  	_ =	shalt  }
0x6a: {  	_ =	shalt  }
0x6b: {  	_ =	shalt  }
0x6c: {  	_ =	shalt  }
0x6d: {  	_ =	shalt  }
0x6e: {  	_ =	shalt  }
0x6f: {  	_ =	shalt  }
0x70: {  	_ =	shalt  }
0x71: {  	_ =	shalt  }
0x72: {  	_ =	shalt  }
0x73: {  	_ =	shalt  }
0x74: {  	_ =	shalt  }
0x75: {  	_ =	shalt  }
0x76: {  	_ =	shalt  }
0x77: {  	_ =	shalt  }
0x78: {  	_ =	shalt  }
0x79: {  	_ =	shalt  }
0x7a: {  	_ =	shalt  }
0x7b: {  	_ =	shalt  }
0x7c: {  	_ =	shalt  }
0x7d: {  	_ =	shalt  }
0x7e: {  	_ =	shalt  }
0x7f: {  	_ =	shalt  }
0x80: {  	_ =	shalt  }
0x81: {  	_ =	shalt  }
0x82: {  	_ =	shalt  }
0x83: {  	_ =	shalt  }
0x84: {  	_ =	shalt  }
0x85: {  	_ =	shalt  }
0x86: {  	_ =	shalt  }
0x87: {  	_ =	shalt  }
.Lfunc_end0:
.L_simem_size_0:
called_computation_lowered:
.L_overlay_start_0:
0x88: {  	s2 =	sld [smem:$0x3FD9]  }
0x89: {  	s3 =	sld [smem:$0x3FFE];
	_ =	sdelay $0x1  }
0x8a: {  	s1 =	srdreg.scid  }
0x8b: {  	s0 =	sand.u32 $0x1, s1  }
0x8c: {  	s18 =	sshll.u32 s0, $0xA;
	s2 =	sadd.s32 s3, s2  }
0x8d: {  	s2 =	sadd.s32 s2, s18  }
0x8e: {  	[smem:$0x3FC6] =	sst s2  }
0x8f: {  	_ = 	snop  }
0x90: {  	s2 =	sld [smem:$0x3FC9]  }
0x91: {  	s19 =	sld [smem:$0x3FC8]  }
0x92: {  	s4 =	sld [smem:$0x3FD0];
	(tm) =	ssettm $0x1  }
0x93: {  	s5 =	sld [smem:$0x3FFB];
	_ =	sdelay $0x3  }
0x94: {  	_ =	strace s5  }
0x95: {  	s5 =	sld [smem:$0x3FFC];
	_ =	sdelay $0x3  }
0x96: {  	_ =	strace s5  }
0x97: {  	s5 =	sld [smem:$0x3FFD];
	_ =	sdelay $0x3  }
0x98: {  	_ =	strace s5  }
0x99: {  	_ =	strace $0x8FFFFFFF  }
0x9a: {  	s20 =	sld [smem:$0x3FDB];
	_ =	sdelay $0x1  }
0x9b: {  	s6 =	simm.s32 $_scs_section_size  }
0x9c: {  	s7 =	simm.s32 $_size__tile_overlayer_lowered;
	s8 =	simm.s32 $_tile_overlayer_lowered  }
0x9d: {  	s23 =	simm.s32 $0x1BFF;
	s22 =	sshll.u32 s8, $0x1;
	s5 =	sadd.s32 s6, s20  }
0x9e: {  	s9 =	simm.s32 $0x0;
	s21 =	sshll.u32 s7, $0x1;
	s7 =	sadd.s32 s22, s5  }
0x9f: {  	[timem:s9], [sflag:s23] =	dma.local [hbm:s7], s21  }
0xa0: {  	_ =	swait.ge [sflag:s23], s21  }
0xa1: {  	s6 =	ssub.s32 $0x0, s21;
	[sflag:s23] =	ssyncset.done $0x0  }
0xa2: {  	[sflag:s23] =	ssyncadd.s32 s6;
	_ =	sdelay $0x1  }
0xa3: {  	s24 =	simm.s32 $0x1B8B  }
0xa4: {  	_ =	swait.ge [sflag:s24], $0x1  }
0xa5: {  	[sflag:s24] =	ssyncset.done $0x0  }
0xa6: {  	s25 =	simm.s32 $0x1B8E;
	[sflag:s24] =	ssyncadd.s32 $0xFFFFFFFF  }
0xa7: {  	s26 =	simm.s32 $execute0_lowered;
	[smem:$0x3FD2] =	sst s25  }
0xa8: {  	s6 =	sshll.u32 s26, $0x1;
	_ =	strace $0x80000046;
	[dreg:$0x1] =	wrdreg $0xFFFFFFFF  }
0xa9: {  	s28 =	simm.s32 $_size_execute0_lowered;
	s5 =	sadd.s32 s5, s6;
	[dreg:$0x0] =	wrdreg $0x0  }
0xaa: {  	s6 =	sshll.u32 s28, $0x1;
	[dreg:$0x2] =	wrdreg s5  }
0xab: {  	[dreg:$0x3] =	wrdreg s6  }
0xac: {  	[dreg:$0x4] =	wrdreg $0xC0  }
0xad: {  	_ =	task [dreg:s9], $0x5FFFF  }
0xae: {  	[dreg:$0x1] =	wrdreg $0xFFFFFFFF  }
0xaf: {  	[dreg:$0x0] =	wrdreg $0x60  }
0xb0: {  	[dreg:$0x2] =	wrdreg s2  }
0xb1: {  	[dreg:$0x3] =	wrdreg s19  }
0xb2: {  	[dreg:$0x4] =	wrdreg s4  }
0xb3: {  	[dreg:$0x5] =	wrdreg $0x9  }
0xb4: {  	_ =	task.clear_ibuf [dreg:s9], $0x6FFFF;
	_ =	strace $0x90000046  }
0xb5: {  	s29 =	simm.s32 $0x9;
	_ =	strace $0x80000048  }
0xb6: {  	_ =	swait.ge [sflag:s29], $0x1  }
0xb7: {  	[sflag:s29] =	ssyncadd.s32 $0xFFFFFFFF  }
0xb8: {  	_ =	strace $0x90000048  }
0xb9: {  	_ =	sfence  }
0xba: {  	s30 =	sld [smem:$0x0];
	_ =	sdelay $0x2  }
0xbb: {  	s31 =	sshll.u32 s1, $0xD;
	s1 =	sshrl.u32 s1, $0x2  }
0xbc: {  	s3 =	sand.u32 $0x4000, s31;
	s1 =	sadd.s32 s1, s30  }
0xbd: {  	s0 =	sor.u32 s3, s0;
	s1 =	sshll.u32 s1, $0x11  }
0xbe: {  	s0 =	sor.u32 s1, s0  }
0xbf: {  	s0 =	sadd.s32 $0x8F2B, s0  }
0xc0: {  	[sflag:s0] =	ssyncadd.remote.s32 $0x1  }
0xc1: {  	_ =	sfence.sel $0xFFFF  }
0xc2: {  	[dreg:$0x0] =	wrdreg $0xFFFFFFFF;
	(pc) =	sbr.abs _section_cstart, $3  }
0xc3: {  	[dreg:$0x1] =	wrdreg $0xFFFFFFFF  }
0xc4: {  	_ =	task.clear_ibuf [dreg:s9], $0x2FFFF;
	_ =	strace $0x9FFFFFFF  }
0xc5: {  	(tm) =	ssettm $0x7FFFFFFF  }
tec
execute0_lowered:
.L_overlay_start_1:
0x0: {  	(tag) =	ssettag $0x1  }
0x1: {  	s1 =	rddreg [dreg:$0x0]  }
0x2: {  	s0 =	srdreg.scid;
	s3 =	rddreg [dreg:$0x1]  }
0x3: {  	s2 =	stileid.u32;
	s5 =	rddreg [dreg:$0x2];
	s22 =	simm.s32 $0xA000  }
0x4: {  	s28 =	simm.s32 $0x14000;
	s29 =	simm.s32 $0x2;
	s30 =	simm.s32 $0x4  }
0x5: {  	s31 =	simm.s32 $0x19000;
	s18 =	simm.s32 $0x7;
	s19 =	simm.s32 $0x0  }
0x6: {  	s0 =	sand.u32 $0x1, s0;
	s2 =	sshll.u32 s2, $0x1;
	s25 =	sadd.s32 $0x51EA0, s3  }
0x7: {  	s26 =	sadd.s32 $0x51EA0, s5;
	s4 =	sor.u32 s0, s2;
	s2 =	simm.s32 $0x0  }
0x8: {  	s0 =	ssub.s32 $0x2, s0;
	s6 =	smul.u32 $0x147A8, s4;
	[smem:$0x7FF] =	sst s2  }
0x9: {  	s7 =	sshrl.u32 s0, $0x1;
	_ =	strace $0x80000047;
	[dreg:$0x8] =	wrdreg s25  }
0xa: {  	p0 =	sne.s32 s4, $0x1F;
	s0 =	ssub.s32 s0, s7;
	[dreg:$0x9] =	wrdreg s26  }
0xb: {  	s25 =	simm.s32 $0x1;
	s26 =	simm.s32 $0x3;
	s12 =	sshrl.u32 s6, $0x3  }
0xc: {  	s21 =	smax.u32 s0, $0x1;
	s0 =	simm.s32 $0x6;
	s10 =	sadd.s32 $0xA00, s12  }
0xd: {  	s6 =	sadd.s32 s1, s12;
	s23 =	sadd.s32 s3, s12;
	s7 =	sadd.s32 s5, s12  }
0xe: {  	s13 =	sadd.s32 $0x1400, s12;
	s16 =	sadd.s32 $0x1E00, s12;
	[dreg:$0x4] =	wrdreg s6  }
0xf: {  	s17 =	sadd.s32 $0x2800, s12;
	[dreg:$0x5] =	wrdreg s23;
	s24 =	sadd.s32 s1, s10  }
0x10: {  	s6 =	sadd.s32 s3, s10;
	s8 =	sadd.s32 s1, s13;
	s9 =	sadd.s32 s3, s13  }
.Ltmp0:
0x11: {  	s10 =	sadd.s32 s5, s10;
	s11 =	sadd.s32 s1, s16;
	(pc) =	sbr.rel .LBB2_1-.Ltmp0, $4  }
0x12: {  	s12 =	sadd.s32 s3, s16;
	s13 =	sadd.s32 s5, s13;
	s14 =	sadd.s32 s1, s17  }
0x13: {  	s15 =	sadd.s32 s3, s17;
	s16 =	sadd.s32 s5, s16;
	s17 =	sadd.s32 s5, s17  }
0x14: {  	s1 =	sadd.s32 $0x51EA0, s1;
	s5 =	simm.s32 $0x5000;
	[dreg:$0x6] =	wrdreg s24  }
0x15: {  	[dreg:$0x7] =	wrdreg s1;
	s24 =	simm.s32 $0xF000;
	s1 =	simm.s32 $0x5  }
.LBB2_15:
0x16: {  	s19 =	sadd.s32 $0x1, s19  }
0x17: {  	p1 =	sne.s32 s19, s21  }
.Ltmp1:
0x18: {  	_ = 	snop;
	(pc) =	sbr.rel @!p1 .LBB2_16-.Ltmp1, $2  }
0x19: {  	_ =	sdelay $0x2  }
0x1a: {  	s5 =	simm.s32 $0x5000  }
.LBB2_1:
0x1b: {  	s3 =	rddreg [dreg:$0x4]  }
0x1c: {  	[tilespmem:s2], [sflag:$0x1] =	stream.linear.gather [hbm4b:s3+s2], $0x5000, $0x38;
	[tilespmem:$0x1E000] =	vst v63  }
0x1d: {  	s4 =	rddreg [dreg:$0x5]  }
0x1e: {  	[tilespmem:s22], [sflag:$0x3] =	stream.linear.gather [hbm4b:s4+s2], $0x5000, $0x38;
	[tilespmem:$0x1E000] =	vst v63  }
0x1f: {  	s20 =	rddreg [dreg:$0x6]  }
0x20: {  	[tilespmem:s5], [sflag:$0x2] =	stream.linear.gather [hbm4b:s20+s2], $0x5000, $0x38;
	[tilespmem:$0x1E000] =	vst v63  }
0x21: {  	_ = 	snop  }
0x22: {  	[tilespmem:s24], [sflag:$0x4] =	stream.linear.gather [hbm4b:s6+s2], $0x5000, $0x38;
	[tilespmem:$0x1E000] =	vst v63  }
0x23: {  	_ =	swait.ge [sflag:s25], $0x5000  }
0x24: {  	[sflag:s25] =	ssyncset.done $0x0  }
0x25: {  	[sflag:s25] =	ssyncadd.s32 $0xFFFFB000  }
0x26: {  	_ =	swait.ge [sflag:s26], $0x5000  }
0x27: {  	[sflag:s26] =	ssyncset.done $0x0  }
0x28: {  	s23 =	simm.s32 $0x80;
	[sflag:s26] =	ssyncadd.s32 $0xFFFFB000  }
0x29: {  	s20 =	simm.s32 $0xA080;
	v0 =	vld [tilespmem:s23+$0x70]  }
0x2a: {  	v1 =	vld [tilespmem:s20+$0x70]  }
0x2b: {  	v2 =	vld [tilespmem:s23+$0xFFFFFF80]  }
0x2c: {  	v3 =	vld [tilespmem:s23+$0xFFFFFF90]  }
0x2d: {  	v4 =	vld [tilespmem:s23+$0xFFFFFFA0]  }
0x2e: {  	v5 =	vld [tilespmem:s23+$0xFFFFFFB0]  }
0x2f: {  	v6 =	vld [tilespmem:s23+$0xFFFFFFC0]  }
0x30: {  	v7 =	vld [tilespmem:s23+$0xFFFFFFD0]  }
0x31: {  	v8 =	vld [tilespmem:s23+$0xFFFFFFE0]  }
0x32: {  	v9 =	vld [tilespmem:s23+$0xFFFFFFF0]  }
0x33: {  	v10 =	vld [tilespmem:s23+$0x0]  }
0x34: {  	v11 =	vld [tilespmem:s23+$0x10]  }
0x35: {  	v12 =	vld [tilespmem:s23+$0x20]  }
0x36: {  	v13 =	vld [tilespmem:s23+$0x30]  }
0x37: {  	v14 =	vld [tilespmem:s23+$0x40]  }
0x38: {  	v15 =	vld [tilespmem:s23+$0x50]  }
0x39: {  	v16 =	vld [tilespmem:s23+$0x60]  }
0x3a: {  	v17 =	vld [tilespmem:s20+$0xFFFFFF90]  }
0x3b: {  	v18 =	vld [tilespmem:s20+$0xFFFFFFA0]  }
0x3c: {  	v20 =	vld [tilespmem:s20+$0xFFFFFFB0];
	v19 =	vadd.f32 v0, v0;
	v0 =	vadd.f32 v2, v2  }
0x3d: {  	vm0 =	vge.f32 v1, $5.000000000e-01;
	v1 =	vadd.f32 v3, v3;
	v2 =	vld [tilespmem:s20+$0xFFFFFFC0];
	v4 =	vadd.f32 v4, v4  }
0x3e: {  	v59 =	vld [tilespmem:s20+$0xFFFFFFD0];
	v5 =	vadd.f32 v5, v5;
	v6 =	vadd.f32 v6, v6  }
0x3f: {  	s3 =	simm.s32 $0x14080;
	v60 =	vld [tilespmem:s20+$0xFFFFFFE0];
	v7 =	vadd.f32 v7, v7;
	v3 =	vnsel vm0, $0x0, v19;
	vm0 =	vge.f32 v17, $5.000000000e-01  }
0x40: {  	[tilespmem:s3+$0x70] =	vst v3;
	v3 =	vadd.f32 v8, v8;
	v1 =	vnsel vm0, $0x0, v1;
	vm0 =	vge.f32 v18, $5.000000000e-01;
	v8 =	vld [tilespmem:s20+$0xFFFFFFF0]  }
0x41: {  	v9 =	vadd.f32 v9, v9;
	[tilespmem:s3+$0xFFFFFF90] =	vst v1;
	v1 =	vnsel vm0, $0x0, v4;
	vm0 =	vge.f32 v20, $5.000000000e-01;
	v4 =	vld [tilespmem:s20+$0x0]  }
0x42: {  	v61 =	vld [tilespmem:s20+$0x10];
	v10 =	vadd.f32 v10, v10;
	[tilespmem:s3+$0xFFFFFFA0] =	vst v1;
	v1 =	vnsel vm0, $0x0, v5;
	vm0 =	vge.f32 v2, $5.000000000e-01  }
0x43: {  	v62 =	vld [tilespmem:s20+$0x20];
	v11 =	vadd.f32 v11, v11;
	[tilespmem:s3+$0xFFFFFFB0] =	vst v1;
	v1 =	vnsel vm0, $0x0, v6;
	vm0 =	vge.f32 v59, $5.000000000e-01  }
0x44: {  	v5 =	vadd.f32 v12, v12;
	v6 =	vld [tilespmem:s20+$0x30];
	[tilespmem:s3+$0xFFFFFFC0] =	vst v1;
	v1 =	vnsel vm0, $0x0, v7;
	vm0 =	vge.f32 v60, $5.000000000e-01  }
0x45: {  	v2 =	vadd.f32 v13, v13;
	v7 =	vld [tilespmem:s20+$0x40];
	[tilespmem:s3+$0xFFFFFFD0] =	vst v1;
	v1 =	vnsel vm0, $0x0, v3;
	vm0 =	vge.f32 v8, $5.000000000e-01  }
0x46: {  	v3 =	vadd.f32 v14, v14;
	v8 =	vld [tilespmem:s20+$0x50];
	[tilespmem:s3+$0xFFFFFFE0] =	vst v1;
	v1 =	vnsel vm0, $0x0, v9;
	vm0 =	vge.f32 v4, $5.000000000e-01  }
0x47: {  	v4 =	vadd.f32 v15, v15;
	v9 =	vld [tilespmem:s20+$0x60];
	[tilespmem:s3+$0xFFFFFFF0] =	vst v1;
	v63 =	vnsel vm0, $0x0, v10;
	vm0 =	vge.f32 v61, $5.000000000e-01  }
0x48: {  	s4 =	simm.s32 $0x0;
	s23 =	simm.s32 $0x180;
	v1 =	vadd.f32 v16, v16;
	v10 =	vld [tilespmem:s20+$0xFFFFFF80];
	[tilespmem:s3+$0x0] =	vst v63;
	v11 =	vnsel vm0, $0x0, v11;
	vm0 =	vge.f32 v62, $5.000000000e-01  }
.LBB2_2:
0x49: {  	v12 =	vld [tilespmem:s23+$0x70];
	s4 =	sadd.s32 $0x10, s4;
	[tilespmem:s3+$0x10] =	vst v11;
	v5 =	vnsel vm0, $0x0, v5;
	vm0 =	vge.f32 v6, $5.000000000e-01;
	s20 =	sadd.s32 $0x100, s20  }
0x4a: {  	v6 =	vld [tilespmem:s20+$0x70];
	p1 =	slt.u32 s4, $0x4F0;
	[tilespmem:s3+$0x20] =	vst v5;
	v2 =	vnsel vm0, $0x0, v2;
	vm0 =	vge.f32 v7, $5.000000000e-01  }
0x4b: {  	v5 =	vld [tilespmem:s23+$0xFFFFFF80];
	[tilespmem:s3+$0x30] =	vst v2;
	v2 =	vnsel vm0, $0x0, v3;
	vm0 =	vge.f32 v8, $5.000000000e-01  }
0x4c: {  	v3 =	vld [tilespmem:s23+$0xFFFFFF90];
	[tilespmem:s3+$0x40] =	vst v2;
	v2 =	vnsel vm0, $0x0, v4;
	vm0 =	vge.f32 v9, $5.000000000e-01  }
0x4d: {  	v4 =	vld [tilespmem:s23+$0xFFFFFFA0];
	vm1 =	vge.f32 v10, $5.000000000e-01;
	[tilespmem:s3+$0x50] =	vst v2;
	v1 =	vnsel vm0, $0x0, v1  }
0x4e: {  	v2 =	vld [tilespmem:s23+$0xFFFFFFB0];
	v7 =	vadd.f32 v12, v12;
	v0 =	vnsel vm1, $0x0, v0;
	[tilespmem:s3+$0x60] =	vst v1  }
0x4f: {  	v1 =	vld [tilespmem:s23+$0xFFFFFFC0];
	vm0 =	vge.f32 v6, $5.000000000e-01;
	[tilespmem:s3+$0xFFFFFF80] =	vst v0  }
0x50: {  	s3 =	sadd.s32 $0x100, s3;
	v0 =	vadd.f32 v5, v5;
	v5 =	vld [tilespmem:s23+$0xFFFFFFD0];
	v6 =	vnsel vm0, $0x0, v7  }
0x51: {  	v7 =	vadd.f32 v3, v3;
	v3 =	vld [tilespmem:s23+$0xFFFFFFE0];
	[tilespmem:s3+$0x70] =	vst v6  }
0x52: {  	v6 =	vadd.f32 v4, v4;
	v4 =	vld [tilespmem:s23+$0xFFFFFFF0]  }
0x53: {  	v8 =	vadd.f32 v2, v2;
	v2 =	vld [tilespmem:s23+$0x0]  }
0x54: {  	v9 =	vadd.f32 v1, v1;
	v1 =	vld [tilespmem:s23+$0x10]  }
0x55: {  	v10 =	vadd.f32 v5, v5;
	v5 =	vld [tilespmem:s23+$0x20]  }
0x56: {  	v11 =	vadd.f32 v3, v3;
	v3 =	vld [tilespmem:s23+$0x30]  }
0x57: {  	v12 =	vadd.f32 v4, v4;
	v4 =	vld [tilespmem:s23+$0x40]  }
0x58: {  	v13 =	vadd.f32 v2, v2;
	v14 =	vld [tilespmem:s23+$0x50]  }
0x59: {  	v15 =	vadd.f32 v1, v1;
	v1 =	vld [tilespmem:s23+$0x60]  }
0x5a: {  	v16 =	vld [tilespmem:s20+$0xFFFFFF90];
	v5 =	vadd.f32 v5, v5  }
0x5b: {  	v17 =	vld [tilespmem:s20+$0xFFFFFFA0];
	v2 =	vadd.f32 v3, v3  }
0x5c: {  	v18 =	vld [tilespmem:s20+$0xFFFFFFB0];
	v3 =	vadd.f32 v4, v4  }
0x5d: {  	v19 =	vld [tilespmem:s20+$0xFFFFFFC0];
	v4 =	vadd.f32 v14, v14  }
0x5e: {  	v14 =	vld [tilespmem:s20+$0xFFFFFFD0];
	v1 =	vadd.f32 v1, v1  }
0x5f: {  	vm0 =	vge.f32 v16, $5.000000000e-01;
	v16 =	vld [tilespmem:s20+$0xFFFFFFE0]  }
0x60: {  	v7 =	vnsel vm0, $0x0, v7;
	vm0 =	vge.f32 v17, $5.000000000e-01;
	v17 =	vld [tilespmem:s20+$0xFFFFFFF0]  }
0x61: {  	[tilespmem:s3+$0xFFFFFF90] =	vst v7;
	v6 =	vnsel vm0, $0x0, v6;
	vm0 =	vge.f32 v18, $5.000000000e-01;
	v18 =	vld [tilespmem:s20+$0x0]  }
0x62: {  	[tilespmem:s3+$0xFFFFFFA0] =	vst v6;
	v6 =	vnsel vm0, $0x0, v8;
	vm0 =	vge.f32 v19, $5.000000000e-01;
	v19 =	vld [tilespmem:s20+$0x10]  }
0x63: {  	[tilespmem:s3+$0xFFFFFFB0] =	vst v6;
	v6 =	vnsel vm0, $0x0, v9;
	vm0 =	vge.f32 v14, $5.000000000e-01;
	v14 =	vld [tilespmem:s20+$0x20]  }
.Ltmp2:
0x64: {  	[tilespmem:s3+$0xFFFFFFC0] =	vst v6;
	v7 =	vnsel vm0, $0x0, v10;
	vm0 =	vge.f32 v16, $5.000000000e-01;
	v6 =	vld [tilespmem:s20+$0x30];
	(pc) =	sbr.rel @p1 .LBB2_2-.Ltmp2, $4  }
0x65: {  	[tilespmem:s3+$0xFFFFFFD0] =	vst v7;
	v8 =	vnsel vm0, $0x0, v11;
	vm0 =	vge.f32 v17, $5.000000000e-01;
	v7 =	vld [tilespmem:s20+$0x40]  }
0x66: {  	[tilespmem:s3+$0xFFFFFFE0] =	vst v8;
	v9 =	vnsel vm0, $0x0, v12;
	vm0 =	vge.f32 v18, $5.000000000e-01;
	v8 =	vld [tilespmem:s20+$0x50]  }
0x67: {  	[tilespmem:s3+$0xFFFFFFF0] =	vst v9;
	v11 =	vnsel vm0, $0x0, v13;
	vm0 =	vge.f32 v19, $5.000000000e-01;
	v9 =	vld [tilespmem:s20+$0x60]  }
0x68: {  	s23 =	sadd.s32 $0x100, s23;
	v10 =	vld [tilespmem:s20+$0xFFFFFF80];
	[tilespmem:s3+$0x0] =	vst v11;
	v11 =	vnsel vm0, $0x0, v15;
	vm0 =	vge.f32 v14, $5.000000000e-01  }
0x69: {  	[tilespmem:s3+$0x10] =	vst v11;
	v5 =	vnsel vm0, $0x0, v5;
	vm0 =	vge.f32 v6, $5.000000000e-01  }
0x6a: {  	[tilespmem:s3+$0x20] =	vst v5;
	v2 =	vnsel vm0, $0x0, v2;
	vm0 =	vge.f32 v7, $5.000000000e-01  }
0x6b: {  	[tilespmem:s3+$0x30] =	vst v2;
	v2 =	vnsel vm0, $0x0, v3;
	vm0 =	vge.f32 v8, $5.000000000e-01  }
0x6c: {  	[tilespmem:s3+$0x40] =	vst v2;
	v2 =	vnsel vm0, $0x0, v4;
	vm0 =	vge.f32 v9, $5.000000000e-01  }
0x6d: {  	vm1 =	vge.f32 v10, $5.000000000e-01;
	[tilespmem:s3+$0x50] =	vst v2;
	v1 =	vnsel vm0, $0x0, v1  }
0x6e: {  	v0 =	vnsel vm1, $0x0, v0;
	[tilespmem:s3+$0x60] =	vst v1  }
0x6f: {  	[tilespmem:s3+$0xFFFFFF80] =	vst v0  }
0x70: {  	[hbm4b:s7+s2] =	stream.linear.scatter [tilespmem:s28], [sflag:$0x5], $0x5000, $0x38;
	[tilespmem:$0x1E000] =	vst v63  }
0x71: {  	_ = 	snop  }
0x72: {  	[tilespmem:s2], [sflag:$0x1] =	stream.linear.gather [hbm4b:s8+s2], $0x5000, $0x38;
	[tilespmem:$0x1E000] =	vst v63  }
0x73: {  	_ = 	snop  }
0x74: {  	[tilespmem:s22], [sflag:$0x3] =	stream.linear.gather [hbm4b:s9+s2], $0x5000, $0x38;
	[tilespmem:$0x1E000] =	vst v63  }
0x75: {  	_ =	swait.ge [sflag:s29], $0x5000  }
0x76: {  	[sflag:s29] =	ssyncset.done $0x0  }
0x77: {  	[sflag:s29] =	ssyncadd.s32 $0xFFFFB000  }
0x78: {  	_ =	swait.ge [sflag:s30], $0x5000  }
0x79: {  	[sflag:s30] =	ssyncset.done $0x0  }
0x7a: {  	s23 =	simm.s32 $0x5080;
	[sflag:s30] =	ssyncadd.s32 $0xFFFFB000  }
0x7b: {  	s20 =	simm.s32 $0xF080;
	v0 =	vld [tilespmem:s23+$0x70]  }
0x7c: {  	v1 =	vld [tilespmem:s20+$0x70]  }
0x7d: {  	v2 =	vld [tilespmem:s23+$0xFFFFFF80]  }
0x7e: {  	v3 =	vld [tilespmem:s23+$0xFFFFFF90]  }
0x7f: {  	v4 =	vld [tilespmem:s23+$0xFFFFFFA0]  }
0x80: {  	v5 =	vld [tilespmem:s23+$0xFFFFFFB0]  }
0x81: {  	v6 =	vld [tilespmem:s23+$0xFFFFFFC0]  }
0x82: {  	v7 =	vld [tilespmem:s23+$0xFFFFFFD0]  }
0x83: {  	v8 =	vld [tilespmem:s23+$0xFFFFFFE0]  }
0x84: {  	v9 =	vld [tilespmem:s23+$0xFFFFFFF0]  }
0x85: {  	v10 =	vld [tilespmem:s23+$0x0]  }
0x86: {  	v11 =	vld [tilespmem:s23+$0x10]  }
0x87: {  	v12 =	vld [tilespmem:s23+$0x20]  }
0x88: {  	v13 =	vld [tilespmem:s23+$0x30]  }
0x89: {  	v14 =	vld [tilespmem:s23+$0x40]  }
0x8a: {  	v15 =	vld [tilespmem:s23+$0x50]  }
0x8b: {  	v16 =	vld [tilespmem:s23+$0x60]  }
0x8c: {  	v17 =	vld [tilespmem:s20+$0xFFFFFF90]  }
0x8d: {  	v18 =	vld [tilespmem:s20+$0xFFFFFFA0]  }
0x8e: {  	v20 =	vld [tilespmem:s20+$0xFFFFFFB0];
	v19 =	vadd.f32 v0, v0;
	v0 =	vadd.f32 v2, v2  }
0x8f: {  	vm0 =	vge.f32 v1, $5.000000000e-01;
	v1 =	vadd.f32 v3, v3;
	v2 =	vld [tilespmem:s20+$0xFFFFFFC0];
	v4 =	vadd.f32 v4, v4  }
0x90: {  	v59 =	vld [tilespmem:s20+$0xFFFFFFD0];
	v5 =	vadd.f32 v5, v5;
	v6 =	vadd.f32 v6, v6  }
0x91: {  	s3 =	simm.s32 $0x19080;
	v60 =	vld [tilespmem:s20+$0xFFFFFFE0];
	v7 =	vadd.f32 v7, v7;
	v3 =	vnsel vm0, $0x0, v19;
	vm0 =	vge.f32 v17, $5.000000000e-01  }
0x92: {  	[tilespmem:s3+$0x70] =	vst v3;
	v3 =	vadd.f32 v8, v8;
	v1 =	vnsel vm0, $0x0, v1;
	vm0 =	vge.f32 v18, $5.000000000e-01;
	v8 =	vld [tilespmem:s20+$0xFFFFFFF0]  }
0x93: {  	v9 =	vadd.f32 v9, v9;
	[tilespmem:s3+$0xFFFFFF90] =	vst v1;
	v1 =	vnsel vm0, $0x0, v4;
	vm0 =	vge.f32 v20, $5.000000000e-01;
	v4 =	vld [tilespmem:s20+$0x0]  }
0x94: {  	v61 =	vld [tilespmem:s20+$0x10];
	v10 =	vadd.f32 v10, v10;
	[tilespmem:s3+$0xFFFFFFA0] =	vst v1;
	v1 =	vnsel vm0, $0x0, v5;
	vm0 =	vge.f32 v2, $5.000000000e-01  }
0x95: {  	v62 =	vld [tilespmem:s20+$0x20];
	v11 =	vadd.f32 v11, v11;
	[tilespmem:s3+$0xFFFFFFB0] =	vst v1;
	v1 =	vnsel vm0, $0x0, v6;
	vm0 =	vge.f32 v59, $5.000000000e-01  }
0x96: {  	v5 =	vadd.f32 v12, v12;
	v6 =	vld [tilespmem:s20+$0x30];
	[tilespmem:s3+$0xFFFFFFC0] =	vst v1;
	v1 =	vnsel vm0, $0x0, v7;
	vm0 =	vge.f32 v60, $5.000000000e-01  }
0x97: {  	v2 =	vadd.f32 v13, v13;
	v7 =	vld [tilespmem:s20+$0x40];
	[tilespmem:s3+$0xFFFFFFD0] =	vst v1;
	v1 =	vnsel vm0, $0x0, v3;
	vm0 =	vge.f32 v8, $5.000000000e-01  }
0x98: {  	v3 =	vadd.f32 v14, v14;
	v8 =	vld [tilespmem:s20+$0x50];
	[tilespmem:s3+$0xFFFFFFE0] =	vst v1;
	v1 =	vnsel vm0, $0x0, v9;
	vm0 =	vge.f32 v4, $5.000000000e-01  }
0x99: {  	v4 =	vadd.f32 v15, v15;
	v9 =	vld [tilespmem:s20+$0x60];
	[tilespmem:s3+$0xFFFFFFF0] =	vst v1;
	v63 =	vnsel vm0, $0x0, v10;
	vm0 =	vge.f32 v61, $5.000000000e-01  }
0x9a: {  	s4 =	simm.s32 $0x0;
	s23 =	simm.s32 $0x5180;
	v1 =	vadd.f32 v16, v16;
	v10 =	vld [tilespmem:s20+$0xFFFFFF80];
	[tilespmem:s3+$0x0] =	vst v63;
	v11 =	vnsel vm0, $0x0, v11;
	vm0 =	vge.f32 v62, $5.000000000e-01  }
.LBB2_4:
0x9b: {  	v12 =	vld [tilespmem:s23+$0x70];
	s4 =	sadd.s32 $0x10, s4;
	[tilespmem:s3+$0x10] =	vst v11;
	v5 =	vnsel vm0, $0x0, v5;
	vm0 =	vge.f32 v6, $5.000000000e-01;
	s20 =	sadd.s32 $0x100, s20  }
0x9c: {  	v6 =	vld [tilespmem:s20+$0x70];
	p1 =	slt.u32 s4, $0x4F0;
	[tilespmem:s3+$0x20] =	vst v5;
	v2 =	vnsel vm0, $0x0, v2;
	vm0 =	vge.f32 v7, $5.000000000e-01  }
0x9d: {  	v5 =	vld [tilespmem:s23+$0xFFFFFF80];
	[tilespmem:s3+$0x30] =	vst v2;
	v2 =	vnsel vm0, $0x0, v3;
	vm0 =	vge.f32 v8, $5.000000000e-01  }
0x9e: {  	v3 =	vld [tilespmem:s23+$0xFFFFFF90];
	[tilespmem:s3+$0x40] =	vst v2;
	v2 =	vnsel vm0, $0x0, v4;
	vm0 =	vge.f32 v9, $5.000000000e-01  }
0x9f: {  	v4 =	vld [tilespmem:s23+$0xFFFFFFA0];
	vm1 =	vge.f32 v10, $5.000000000e-01;
	[tilespmem:s3+$0x50] =	vst v2;
	v1 =	vnsel vm0, $0x0, v1  }
0xa0: {  	v2 =	vld [tilespmem:s23+$0xFFFFFFB0];
	v7 =	vadd.f32 v12, v12;
	v0 =	vnsel vm1, $0x0, v0;
	[tilespmem:s3+$0x60] =	vst v1  }
0xa1: {  	v1 =	vld [tilespmem:s23+$0xFFFFFFC0];
	vm0 =	vge.f32 v6, $5.000000000e-01;
	[tilespmem:s3+$0xFFFFFF80] =	vst v0  }
0xa2: {  	s3 =	sadd.s32 $0x100, s3;
	v0 =	vadd.f32 v5, v5;
	v5 =	vld [tilespmem:s23+$0xFFFFFFD0];
	v6 =	vnsel vm0, $0x0, v7  }
0xa3: {  	v7 =	vadd.f32 v3, v3;
	v3 =	vld [tilespmem:s23+$0xFFFFFFE0];
	[tilespmem:s3+$0x70] =	vst v6  }
0xa4: {  	v6 =	vadd.f32 v4, v4;
	v4 =	vld [tilespmem:s23+$0xFFFFFFF0]  }
0xa5: {  	v8 =	vadd.f32 v2, v2;
	v2 =	vld [tilespmem:s23+$0x0]  }
0xa6: {  	v9 =	vadd.f32 v1, v1;
	v1 =	vld [tilespmem:s23+$0x10]  }
0xa7: {  	v10 =	vadd.f32 v5, v5;
	v5 =	vld [tilespmem:s23+$0x20]  }
0xa8: {  	v11 =	vadd.f32 v3, v3;
	v3 =	vld [tilespmem:s23+$0x30]  }
0xa9: {  	v12 =	vadd.f32 v4, v4;
	v4 =	vld [tilespmem:s23+$0x40]  }
0xaa: {  	v13 =	vadd.f32 v2, v2;
	v14 =	vld [tilespmem:s23+$0x50]  }
0xab: {  	v15 =	vadd.f32 v1, v1;
	v1 =	vld [tilespmem:s23+$0x60]  }
0xac: {  	v16 =	vld [tilespmem:s20+$0xFFFFFF90];
	v5 =	vadd.f32 v5, v5  }
0xad: {  	v17 =	vld [tilespmem:s20+$0xFFFFFFA0];
	v2 =	vadd.f32 v3, v3  }
0xae: {  	v18 =	vld [tilespmem:s20+$0xFFFFFFB0];
	v3 =	vadd.f32 v4, v4  }
0xaf: {  	v19 =	vld [tilespmem:s20+$0xFFFFFFC0];
	v4 =	vadd.f32 v14, v14  }
0xb0: {  	v14 =	vld [tilespmem:s20+$0xFFFFFFD0];
	v1 =	vadd.f32 v1, v1  }
0xb1: {  	vm0 =	vge.f32 v16, $5.000000000e-01;
	v16 =	vld [tilespmem:s20+$0xFFFFFFE0]  }
0xb2: {  	v7 =	vnsel vm0, $0x0, v7;
	vm0 =	vge.f32 v17, $5.000000000e-01;
	v17 =	vld [tilespmem:s20+$0xFFFFFFF0]  }
0xb3: {  	[tilespmem:s3+$0xFFFFFF90] =	vst v7;
	v6 =	vnsel vm0, $0x0, v6;
	vm0 =	vge.f32 v18, $5.000000000e-01;
	v18 =	vld [tilespmem:s20+$0x0]  }
0xb4: {  	[tilespmem:s3+$0xFFFFFFA0] =	vst v6;
	v6 =	vnsel vm0, $0x0, v8;
	vm0 =	vge.f32 v19, $5.000000000e-01;
	v19 =	vld [tilespmem:s20+$0x10]  }
0xb5: {  	[tilespmem:s3+$0xFFFFFFB0] =	vst v6;
	v6 =	vnsel vm0, $0x0, v9;
	vm0 =	vge.f32 v14, $5.000000000e-01;
	v14 =	vld [tilespmem:s20+$0x20]  }
.Ltmp3:
0xb6: {  	[tilespmem:s3+$0xFFFFFFC0] =	vst v6;
	v7 =	vnsel vm0, $0x0, v10;
	vm0 =	vge.f32 v16, $5.000000000e-01;
	v6 =	vld [tilespmem:s20+$0x30];
	(pc) =	sbr.rel @p1 .LBB2_4-.Ltmp3, $4  }
0xb7: {  	[tilespmem:s3+$0xFFFFFFD0] =	vst v7;
	v8 =	vnsel vm0, $0x0, v11;
	vm0 =	vge.f32 v17, $5.000000000e-01;
	v7 =	vld [tilespmem:s20+$0x40]  }
0xb8: {  	[tilespmem:s3+$0xFFFFFFE0] =	vst v8;
	v9 =	vnsel vm0, $0x0, v12;
	vm0 =	vge.f32 v18, $5.000000000e-01;
	v8 =	vld [tilespmem:s20+$0x50]  }
0xb9: {  	[tilespmem:s3+$0xFFFFFFF0] =	vst v9;
	v11 =	vnsel vm0, $0x0, v13;
	vm0 =	vge.f32 v19, $5.000000000e-01;
	v9 =	vld [tilespmem:s20+$0x60]  }
0xba: {  	s23 =	sadd.s32 $0x100, s23;
	v10 =	vld [tilespmem:s20+$0xFFFFFF80];
	[tilespmem:s3+$0x0] =	vst v11;
	v11 =	vnsel vm0, $0x0, v15;
	vm0 =	vge.f32 v14, $5.000000000e-01  }
0xbb: {  	[tilespmem:s3+$0x10] =	vst v11;
	v5 =	vnsel vm0, $0x0, v5;
	vm0 =	vge.f32 v6, $5.000000000e-01  }
0xbc: {  	[tilespmem:s3+$0x20] =	vst v5;
	v2 =	vnsel vm0, $0x0, v2;
	vm0 =	vge.f32 v7, $5.000000000e-01  }
0xbd: {  	[tilespmem:s3+$0x30] =	vst v2;
	v2 =	vnsel vm0, $0x0, v3;
	vm0 =	vge.f32 v8, $5.000000000e-01  }
0xbe: {  	[tilespmem:s3+$0x40] =	vst v2;
	v2 =	vnsel vm0, $0x0, v4;
	vm0 =	vge.f32 v9, $5.000000000e-01  }
0xbf: {  	vm1 =	vge.f32 v10, $5.000000000e-01;
	[tilespmem:s3+$0x50] =	vst v2;
	v1 =	vnsel vm0, $0x0, v1  }
0xc0: {  	v0 =	vnsel vm1, $0x0, v0;
	[tilespmem:s3+$0x60] =	vst v1  }
0xc1: {  	[tilespmem:s3+$0xFFFFFF80] =	vst v0  }
0xc2: {  	[hbm4b:s10+s2] =	stream.linear.scatter [tilespmem:s31], [sflag:$0x6], $0x5000, $0x38;
	[tilespmem:$0x1E000] =	vst v63  }
0xc3: {  	_ = 	snop  }
0xc4: {  	[tilespmem:s5], [sflag:$0x2] =	stream.linear.gather [hbm4b:s11+s2], $0x5000, $0x38;
	[tilespmem:$0x1E000] =	vst v63  }
0xc5: {  	_ = 	snop  }
0xc6: {  	[tilespmem:s24], [sflag:$0x4] =	stream.linear.gather [hbm4b:s12+s2], $0x5000, $0x38;
	[tilespmem:$0x1E000] =	vst v63  }
0xc7: {  	_ =	swait.ge [sflag:s25], $0x5000  }
0xc8: {  	[sflag:s25] =	ssyncset.done $0x0  }
0xc9: {  	[sflag:s25] =	ssyncadd.s32 $0xFFFFB000  }
0xca: {  	_ =	swait.ge [sflag:s26], $0x5000  }
0xcb: {  	[sflag:s26] =	ssyncset.done $0x0  }
0xcc: {  	[sflag:s26] =	ssyncadd.s32 $0xFFFFB000  }
0xcd: {  	_ =	swait.ge [sflag:s1], $0x5000  }
0xce: {  	[sflag:s1] =	ssyncset.done $0x0  }
0xcf: {  	s23 =	simm.s32 $0x80;
	[sflag:s1] =	ssyncadd.s32 $0xFFFFB000  }
0xd0: {  	s20 =	simm.s32 $0xA080;
	v0 =	vld [tilespmem:s23+$0x70]  }
0xd1: {  	v1 =	vld [tilespmem:s20+$0x70]  }
0xd2: {  	v2 =	vld [tilespmem:s23+$0xFFFFFF80]  }
0xd3: {  	v3 =	vld [tilespmem:s23+$0xFFFFFF90]  }
0xd4: {  	v4 =	vld [tilespmem:s23+$0xFFFFFFA0]  }
0xd5: {  	v5 =	vld [tilespmem:s23+$0xFFFFFFB0]  }
0xd6: {  	v6 =	vld [tilespmem:s23+$0xFFFFFFC0]  }
0xd7: {  	v7 =	vld [tilespmem:s23+$0xFFFFFFD0]  }
0xd8: {  	v8 =	vld [tilespmem:s23+$0xFFFFFFE0]  }
0xd9: {  	v9 =	vld [tilespmem:s23+$0xFFFFFFF0]  }
0xda: {  	v10 =	vld [tilespmem:s23+$0x0]  }
0xdb: {  	v11 =	vld [tilespmem:s23+$0x10]  }
0xdc: {  	v12 =	vld [tilespmem:s23+$0x20]  }
0xdd: {  	v13 =	vld [tilespmem:s23+$0x30]  }
0xde: {  	v14 =	vld [tilespmem:s23+$0x40]  }
0xdf: {  	v15 =	vld [tilespmem:s23+$0x50]  }
0xe0: {  	v16 =	vld [tilespmem:s23+$0x60]  }
0xe1: {  	v17 =	vld [tilespmem:s20+$0xFFFFFF90]  }
0xe2: {  	v18 =	vld [tilespmem:s20+$0xFFFFFFA0]  }
0xe3: {  	v20 =	vld [tilespmem:s20+$0xFFFFFFB0];
	v19 =	vadd.f32 v0, v0;
	v0 =	vadd.f32 v2, v2  }
0xe4: {  	vm0 =	vge.f32 v1, $5.000000000e-01;
	v1 =	vadd.f32 v3, v3;
	v2 =	vld [tilespmem:s20+$0xFFFFFFC0];
	v4 =	vadd.f32 v4, v4  }
0xe5: {  	v59 =	vld [tilespmem:s20+$0xFFFFFFD0];
	v5 =	vadd.f32 v5, v5;
	v6 =	vadd.f32 v6, v6  }
0xe6: {  	s3 =	simm.s32 $0x14080;
	v60 =	vld [tilespmem:s20+$0xFFFFFFE0];
	v7 =	vadd.f32 v7, v7;
	v3 =	vnsel vm0, $0x0, v19;
	vm0 =	vge.f32 v17, $5.000000000e-01  }
0xe7: {  	[tilespmem:s3+$0x70] =	vst v3;
	v3 =	vadd.f32 v8, v8;
	v1 =	vnsel vm0, $0x0, v1;
	vm0 =	vge.f32 v18, $5.000000000e-01;
	v8 =	vld [tilespmem:s20+$0xFFFFFFF0]  }
0xe8: {  	v9 =	vadd.f32 v9, v9;
	[tilespmem:s3+$0xFFFFFF90] =	vst v1;
	v1 =	vnsel vm0, $0x0, v4;
	vm0 =	vge.f32 v20, $5.000000000e-01;
	v4 =	vld [tilespmem:s20+$0x0]  }
0xe9: {  	v61 =	vld [tilespmem:s20+$0x10];
	v10 =	vadd.f32 v10, v10;
	[tilespmem:s3+$0xFFFFFFA0] =	vst v1;
	v1 =	vnsel vm0, $0x0, v5;
	vm0 =	vge.f32 v2, $5.000000000e-01  }
0xea: {  	v62 =	vld [tilespmem:s20+$0x20];
	v11 =	vadd.f32 v11, v11;
	[tilespmem:s3+$0xFFFFFFB0] =	vst v1;
	v1 =	vnsel vm0, $0x0, v6;
	vm0 =	vge.f32 v59, $5.000000000e-01  }
0xeb: {  	v5 =	vadd.f32 v12, v12;
	v6 =	vld [tilespmem:s20+$0x30];
	[tilespmem:s3+$0xFFFFFFC0] =	vst v1;
	v1 =	vnsel vm0, $0x0, v7;
	vm0 =	vge.f32 v60, $5.000000000e-01  }
0xec: {  	v2 =	vadd.f32 v13, v13;
	v7 =	vld [tilespmem:s20+$0x40];
	[tilespmem:s3+$0xFFFFFFD0] =	vst v1;
	v1 =	vnsel vm0, $0x0, v3;
	vm0 =	vge.f32 v8, $5.000000000e-01  }
0xed: {  	v3 =	vadd.f32 v14, v14;
	v8 =	vld [tilespmem:s20+$0x50];
	[tilespmem:s3+$0xFFFFFFE0] =	vst v1;
	v1 =	vnsel vm0, $0x0, v9;
	vm0 =	vge.f32 v4, $5.000000000e-01  }
0xee: {  	v4 =	vadd.f32 v15, v15;
	v9 =	vld [tilespmem:s20+$0x60];
	[tilespmem:s3+$0xFFFFFFF0] =	vst v1;
	v63 =	vnsel vm0, $0x0, v10;
	vm0 =	vge.f32 v61, $5.000000000e-01  }
0xef: {  	s4 =	simm.s32 $0x0;
	s23 =	simm.s32 $0x180;
	v1 =	vadd.f32 v16, v16;
	v10 =	vld [tilespmem:s20+$0xFFFFFF80];
	[tilespmem:s3+$0x0] =	vst v63;
	v11 =	vnsel vm0, $0x0, v11;
	vm0 =	vge.f32 v62, $5.000000000e-01  }
.LBB2_6:
0xf0: {  	v12 =	vld [tilespmem:s23+$0x70];
	s4 =	sadd.s32 $0x10, s4;
	[tilespmem:s3+$0x10] =	vst v11;
	v5 =	vnsel vm0, $0x0, v5;
	vm0 =	vge.f32 v6, $5.000000000e-01;
	s20 =	sadd.s32 $0x100, s20  }
0xf1: {  	v6 =	vld [tilespmem:s20+$0x70];
	p1 =	slt.u32 s4, $0x4F0;
	[tilespmem:s3+$0x20] =	vst v5;
	v2 =	vnsel vm0, $0x0, v2;
	vm0 =	vge.f32 v7, $5.000000000e-01  }
0xf2: {  	v5 =	vld [tilespmem:s23+$0xFFFFFF80];
	[tilespmem:s3+$0x30] =	vst v2;
	v2 =	vnsel vm0, $0x0, v3;
	vm0 =	vge.f32 v8, $5.000000000e-01  }
0xf3: {  	v3 =	vld [tilespmem:s23+$0xFFFFFF90];
	[tilespmem:s3+$0x40] =	vst v2;
	v2 =	vnsel vm0, $0x0, v4;
	vm0 =	vge.f32 v9, $5.000000000e-01  }
0xf4: {  	v4 =	vld [tilespmem:s23+$0xFFFFFFA0];
	vm1 =	vge.f32 v10, $5.000000000e-01;
	[tilespmem:s3+$0x50] =	vst v2;
	v1 =	vnsel vm0, $0x0, v1  }
0xf5: {  	v2 =	vld [tilespmem:s23+$0xFFFFFFB0];
	v7 =	vadd.f32 v12, v12;
	v0 =	vnsel vm1, $0x0, v0;
	[tilespmem:s3+$0x60] =	vst v1  }
0xf6: {  	v1 =	vld [tilespmem:s23+$0xFFFFFFC0];
	vm0 =	vge.f32 v6, $5.000000000e-01;
	[tilespmem:s3+$0xFFFFFF80] =	vst v0  }
0xf7: {  	s3 =	sadd.s32 $0x100, s3;
	v0 =	vadd.f32 v5, v5;
	v5 =	vld [tilespmem:s23+$0xFFFFFFD0];
	v6 =	vnsel vm0, $0x0, v7  }
0xf8: {  	v7 =	vadd.f32 v3, v3;
	v3 =	vld [tilespmem:s23+$0xFFFFFFE0];
	[tilespmem:s3+$0x70] =	vst v6  }
0xf9: {  	v6 =	vadd.f32 v4, v4;
	v4 =	vld [tilespmem:s23+$0xFFFFFFF0]  }
0xfa: {  	v8 =	vadd.f32 v2, v2;
	v2 =	vld [tilespmem:s23+$0x0]  }
0xfb: {  	v9 =	vadd.f32 v1, v1;
	v1 =	vld [tilespmem:s23+$0x10]  }
0xfc: {  	v10 =	vadd.f32 v5, v5;
	v5 =	vld [tilespmem:s23+$0x20]  }
0xfd: {  	v11 =	vadd.f32 v3, v3;
	v3 =	vld [tilespmem:s23+$0x30]  }
0xfe: {  	v12 =	vadd.f32 v4, v4;
	v4 =	vld [tilespmem:s23+$0x40]  }
0xff: {  	v13 =	vadd.f32 v2, v2;
	v14 =	vld [tilespmem:s23+$0x50]  }
0x100: {  	v15 =	vadd.f32 v1, v1;
	v1 =	vld [tilespmem:s23+$0x60]  }
0x101: {  	v16 =	vld [tilespmem:s20+$0xFFFFFF90];
	v5 =	vadd.f32 v5, v5  }
0x102: {  	v17 =	vld [tilespmem:s20+$0xFFFFFFA0];
	v2 =	vadd.f32 v3, v3  }
0x103: {  	v18 =	vld [tilespmem:s20+$0xFFFFFFB0];
	v3 =	vadd.f32 v4, v4  }
0x104: {  	v19 =	vld [tilespmem:s20+$0xFFFFFFC0];
	v4 =	vadd.f32 v14, v14  }
0x105: {  	v14 =	vld [tilespmem:s20+$0xFFFFFFD0];
	v1 =	vadd.f32 v1, v1  }
0x106: {  	vm0 =	vge.f32 v16, $5.000000000e-01;
	v16 =	vld [tilespmem:s20+$0xFFFFFFE0]  }
0x107: {  	v7 =	vnsel vm0, $0x0, v7;
	vm0 =	vge.f32 v17, $5.000000000e-01;
	v17 =	vld [tilespmem:s20+$0xFFFFFFF0]  }
0x108: {  	[tilespmem:s3+$0xFFFFFF90] =	vst v7;
	v6 =	vnsel vm0, $0x0, v6;
	vm0 =	vge.f32 v18, $5.000000000e-01;
	v18 =	vld [tilespmem:s20+$0x0]  }
0x109: {  	[tilespmem:s3+$0xFFFFFFA0] =	vst v6;
	v6 =	vnsel vm0, $0x0, v8;
	vm0 =	vge.f32 v19, $5.000000000e-01;
	v19 =	vld [tilespmem:s20+$0x10]  }
0x10a: {  	[tilespmem:s3+$0xFFFFFFB0] =	vst v6;
	v6 =	vnsel vm0, $0x0, v9;
	vm0 =	vge.f32 v14, $5.000000000e-01;
	v14 =	vld [tilespmem:s20+$0x20]  }
.Ltmp4:
0x10b: {  	[tilespmem:s3+$0xFFFFFFC0] =	vst v6;
	v7 =	vnsel vm0, $0x0, v10;
	vm0 =	vge.f32 v16, $5.000000000e-01;
	v6 =	vld [tilespmem:s20+$0x30];
	(pc) =	sbr.rel @p1 .LBB2_6-.Ltmp4, $4  }
0x10c: {  	[tilespmem:s3+$0xFFFFFFD0] =	vst v7;
	v8 =	vnsel vm0, $0x0, v11;
	vm0 =	vge.f32 v17, $5.000000000e-01;
	v7 =	vld [tilespmem:s20+$0x40]  }
0x10d: {  	[tilespmem:s3+$0xFFFFFFE0] =	vst v8;
	v9 =	vnsel vm0, $0x0, v12;
	vm0 =	vge.f32 v18, $5.000000000e-01;
	v8 =	vld [tilespmem:s20+$0x50]  }
0x10e: {  	[tilespmem:s3+$0xFFFFFFF0] =	vst v9;
	v11 =	vnsel vm0, $0x0, v13;
	vm0 =	vge.f32 v19, $5.000000000e-01;
	v9 =	vld [tilespmem:s20+$0x60]  }
0x10f: {  	s23 =	sadd.s32 $0x100, s23;
	v10 =	vld [tilespmem:s20+$0xFFFFFF80];
	[tilespmem:s3+$0x0] =	vst v11;
	v11 =	vnsel vm0, $0x0, v15;
	vm0 =	vge.f32 v14, $5.000000000e-01  }
0x110: {  	[tilespmem:s3+$0x10] =	vst v11;
	v5 =	vnsel vm0, $0x0, v5;
	vm0 =	vge.f32 v6, $5.000000000e-01  }
0x111: {  	[tilespmem:s3+$0x20] =	vst v5;
	v2 =	vnsel vm0, $0x0, v2;
	vm0 =	vge.f32 v7, $5.000000000e-01  }
0x112: {  	[tilespmem:s3+$0x30] =	vst v2;
	v2 =	vnsel vm0, $0x0, v3;
	vm0 =	vge.f32 v8, $5.000000000e-01  }
0x113: {  	[tilespmem:s3+$0x40] =	vst v2;
	v2 =	vnsel vm0, $0x0, v4;
	vm0 =	vge.f32 v9, $5.000000000e-01  }
0x114: {  	vm1 =	vge.f32 v10, $5.000000000e-01;
	[tilespmem:s3+$0x50] =	vst v2;
	v1 =	vnsel vm0, $0x0, v1  }
0x115: {  	v0 =	vnsel vm1, $0x0, v0;
	[tilespmem:s3+$0x60] =	vst v1  }
0x116: {  	[tilespmem:s3+$0xFFFFFF80] =	vst v0  }
0x117: {  	[hbm4b:s13+s2] =	stream.linear.scatter [tilespmem:s28], [sflag:$0x5], $0x5000, $0x38;
	[tilespmem:$0x1E000] =	vst v63  }
0x118: {  	_ = 	snop  }
0x119: {  	[tilespmem:s2], [sflag:$0x1] =	stream.linear.gather [hbm4b:s14+s2], $0x7A8, $0x38;
	[tilespmem:$0x1E000] =	vst v63  }
0x11a: {  	_ = 	snop  }
0x11b: {  	[tilespmem:s22], [sflag:$0x3] =	stream.linear.gather [hbm4b:s15+s2], $0x7A8, $0x38;
	[tilespmem:$0x1E000] =	vst v63  }
0x11c: {  	_ =	swait.ge [sflag:s29], $0x5000  }
0x11d: {  	[sflag:s29] =	ssyncset.done $0x0  }
0x11e: {  	[sflag:s29] =	ssyncadd.s32 $0xFFFFB000  }
0x11f: {  	_ =	swait.ge [sflag:s30], $0x5000  }
0x120: {  	[sflag:s30] =	ssyncset.done $0x0  }
0x121: {  	[sflag:s30] =	ssyncadd.s32 $0xFFFFB000  }
0x122: {  	_ =	swait.ge [sflag:s0], $0x5000  }
0x123: {  	[sflag:s0] =	ssyncset.done $0x0  }
0x124: {  	s23 =	simm.s32 $0x5080;
	[sflag:s0] =	ssyncadd.s32 $0xFFFFB000  }
0x125: {  	s20 =	simm.s32 $0xF080;
	v0 =	vld [tilespmem:s23+$0x70]  }
0x126: {  	v1 =	vld [tilespmem:s20+$0x70]  }
0x127: {  	v2 =	vld [tilespmem:s23+$0xFFFFFF80]  }
0x128: {  	v3 =	vld [tilespmem:s23+$0xFFFFFF90]  }
0x129: {  	v4 =	vld [tilespmem:s23+$0xFFFFFFA0]  }
0x12a: {  	v5 =	vld [tilespmem:s23+$0xFFFFFFB0]  }
0x12b: {  	v6 =	vld [tilespmem:s23+$0xFFFFFFC0]  }
0x12c: {  	v7 =	vld [tilespmem:s23+$0xFFFFFFD0]  }
0x12d: {  	v8 =	vld [tilespmem:s23+$0xFFFFFFE0]  }
0x12e: {  	v9 =	vld [tilespmem:s23+$0xFFFFFFF0]  }
0x12f: {  	v10 =	vld [tilespmem:s23+$0x0]  }
0x130: {  	v11 =	vld [tilespmem:s23+$0x10]  }
0x131: {  	v12 =	vld [tilespmem:s23+$0x20]  }
0x132: {  	v13 =	vld [tilespmem:s23+$0x30]  }
0x133: {  	v14 =	vld [tilespmem:s23+$0x40]  }
0x134: {  	v15 =	vld [tilespmem:s23+$0x50]  }
0x135: {  	v16 =	vld [tilespmem:s23+$0x60]  }
0x136: {  	v17 =	vld [tilespmem:s20+$0xFFFFFF90]  }
0x137: {  	v18 =	vld [tilespmem:s20+$0xFFFFFFA0]  }
0x138: {  	v20 =	vld [tilespmem:s20+$0xFFFFFFB0];
	v19 =	vadd.f32 v0, v0;
	v0 =	vadd.f32 v2, v2  }
0x139: {  	vm0 =	vge.f32 v1, $5.000000000e-01;
	v1 =	vadd.f32 v3, v3;
	v2 =	vld [tilespmem:s20+$0xFFFFFFC0];
	v4 =	vadd.f32 v4, v4  }
0x13a: {  	v59 =	vld [tilespmem:s20+$0xFFFFFFD0];
	v5 =	vadd.f32 v5, v5;
	v6 =	vadd.f32 v6, v6  }
0x13b: {  	s3 =	simm.s32 $0x19080;
	v60 =	vld [tilespmem:s20+$0xFFFFFFE0];
	v7 =	vadd.f32 v7, v7;
	v3 =	vnsel vm0, $0x0, v19;
	vm0 =	vge.f32 v17, $5.000000000e-01  }
0x13c: {  	[tilespmem:s3+$0x70] =	vst v3;
	v3 =	vadd.f32 v8, v8;
	v1 =	vnsel vm0, $0x0, v1;
	vm0 =	vge.f32 v18, $5.000000000e-01;
	v8 =	vld [tilespmem:s20+$0xFFFFFFF0]  }
0x13d: {  	v9 =	vadd.f32 v9, v9;
	[tilespmem:s3+$0xFFFFFF90] =	vst v1;
	v1 =	vnsel vm0, $0x0, v4;
	vm0 =	vge.f32 v20, $5.000000000e-01;
	v4 =	vld [tilespmem:s20+$0x0]  }
0x13e: {  	v61 =	vld [tilespmem:s20+$0x10];
	v10 =	vadd.f32 v10, v10;
	[tilespmem:s3+$0xFFFFFFA0] =	vst v1;
	v1 =	vnsel vm0, $0x0, v5;
	vm0 =	vge.f32 v2, $5.000000000e-01  }
0x13f: {  	v62 =	vld [tilespmem:s20+$0x20];
	v11 =	vadd.f32 v11, v11;
	[tilespmem:s3+$0xFFFFFFB0] =	vst v1;
	v1 =	vnsel vm0, $0x0, v6;
	vm0 =	vge.f32 v59, $5.000000000e-01  }
0x140: {  	v5 =	vadd.f32 v12, v12;
	v6 =	vld [tilespmem:s20+$0x30];
	[tilespmem:s3+$0xFFFFFFC0] =	vst v1;
	v1 =	vnsel vm0, $0x0, v7;
	vm0 =	vge.f32 v60, $5.000000000e-01  }
0x141: {  	v2 =	vadd.f32 v13, v13;
	v7 =	vld [tilespmem:s20+$0x40];
	[tilespmem:s3+$0xFFFFFFD0] =	vst v1;
	v1 =	vnsel vm0, $0x0, v3;
	vm0 =	vge.f32 v8, $5.000000000e-01  }
0x142: {  	v3 =	vadd.f32 v14, v14;
	v8 =	vld [tilespmem:s20+$0x50];
	[tilespmem:s3+$0xFFFFFFE0] =	vst v1;
	v1 =	vnsel vm0, $0x0, v9;
	vm0 =	vge.f32 v4, $5.000000000e-01  }
0x143: {  	v4 =	vadd.f32 v15, v15;
	v9 =	vld [tilespmem:s20+$0x60];
	[tilespmem:s3+$0xFFFFFFF0] =	vst v1;
	v63 =	vnsel vm0, $0x0, v10;
	vm0 =	vge.f32 v61, $5.000000000e-01  }
0x144: {  	s4 =	simm.s32 $0x0;
	s23 =	simm.s32 $0x5180;
	v1 =	vadd.f32 v16, v16;
	v10 =	vld [tilespmem:s20+$0xFFFFFF80];
	[tilespmem:s3+$0x0] =	vst v63;
	v11 =	vnsel vm0, $0x0, v11;
	vm0 =	vge.f32 v62, $5.000000000e-01  }
.LBB2_8:
0x145: {  	v12 =	vld [tilespmem:s23+$0x70];
	s4 =	sadd.s32 $0x10, s4;
	[tilespmem:s3+$0x10] =	vst v11;
	v5 =	vnsel vm0, $0x0, v5;
	vm0 =	vge.f32 v6, $5.000000000e-01;
	s20 =	sadd.s32 $0x100, s20  }
0x146: {  	v6 =	vld [tilespmem:s20+$0x70];
	p1 =	slt.u32 s4, $0x4F0;
	[tilespmem:s3+$0x20] =	vst v5;
	v2 =	vnsel vm0, $0x0, v2;
	vm0 =	vge.f32 v7, $5.000000000e-01  }
0x147: {  	v5 =	vld [tilespmem:s23+$0xFFFFFF80];
	[tilespmem:s3+$0x30] =	vst v2;
	v2 =	vnsel vm0, $0x0, v3;
	vm0 =	vge.f32 v8, $5.000000000e-01  }
0x148: {  	v3 =	vld [tilespmem:s23+$0xFFFFFF90];
	[tilespmem:s3+$0x40] =	vst v2;
	v2 =	vnsel vm0, $0x0, v4;
	vm0 =	vge.f32 v9, $5.000000000e-01  }
0x149: {  	v4 =	vld [tilespmem:s23+$0xFFFFFFA0];
	vm1 =	vge.f32 v10, $5.000000000e-01;
	[tilespmem:s3+$0x50] =	vst v2;
	v1 =	vnsel vm0, $0x0, v1  }
0x14a: {  	v2 =	vld [tilespmem:s23+$0xFFFFFFB0];
	v7 =	vadd.f32 v12, v12;
	v0 =	vnsel vm1, $0x0, v0;
	[tilespmem:s3+$0x60] =	vst v1  }
0x14b: {  	v1 =	vld [tilespmem:s23+$0xFFFFFFC0];
	vm0 =	vge.f32 v6, $5.000000000e-01;
	[tilespmem:s3+$0xFFFFFF80] =	vst v0  }
0x14c: {  	s3 =	sadd.s32 $0x100, s3;
	v0 =	vadd.f32 v5, v5;
	v5 =	vld [tilespmem:s23+$0xFFFFFFD0];
	v6 =	vnsel vm0, $0x0, v7  }
0x14d: {  	v7 =	vadd.f32 v3, v3;
	v3 =	vld [tilespmem:s23+$0xFFFFFFE0];
	[tilespmem:s3+$0x70] =	vst v6  }
0x14e: {  	v6 =	vadd.f32 v4, v4;
	v4 =	vld [tilespmem:s23+$0xFFFFFFF0]  }
0x14f: {  	v8 =	vadd.f32 v2, v2;
	v2 =	vld [tilespmem:s23+$0x0]  }
0x150: {  	v9 =	vadd.f32 v1, v1;
	v1 =	vld [tilespmem:s23+$0x10]  }
0x151: {  	v10 =	vadd.f32 v5, v5;
	v5 =	vld [tilespmem:s23+$0x20]  }
0x152: {  	v11 =	vadd.f32 v3, v3;
	v3 =	vld [tilespmem:s23+$0x30]  }
0x153: {  	v12 =	vadd.f32 v4, v4;
	v4 =	vld [tilespmem:s23+$0x40]  }
0x154: {  	v13 =	vadd.f32 v2, v2;
	v14 =	vld [tilespmem:s23+$0x50]  }
0x155: {  	v15 =	vadd.f32 v1, v1;
	v1 =	vld [tilespmem:s23+$0x60]  }
0x156: {  	v16 =	vld [tilespmem:s20+$0xFFFFFF90];
	v5 =	vadd.f32 v5, v5  }
0x157: {  	v17 =	vld [tilespmem:s20+$0xFFFFFFA0];
	v2 =	vadd.f32 v3, v3  }
0x158: {  	v18 =	vld [tilespmem:s20+$0xFFFFFFB0];
	v3 =	vadd.f32 v4, v4  }
0x159: {  	v19 =	vld [tilespmem:s20+$0xFFFFFFC0];
	v4 =	vadd.f32 v14, v14  }
0x15a: {  	v14 =	vld [tilespmem:s20+$0xFFFFFFD0];
	v1 =	vadd.f32 v1, v1  }
0x15b: {  	vm0 =	vge.f32 v16, $5.000000000e-01;
	v16 =	vld [tilespmem:s20+$0xFFFFFFE0]  }
0x15c: {  	v7 =	vnsel vm0, $0x0, v7;
	vm0 =	vge.f32 v17, $5.000000000e-01;
	v17 =	vld [tilespmem:s20+$0xFFFFFFF0]  }
0x15d: {  	[tilespmem:s3+$0xFFFFFF90] =	vst v7;
	v6 =	vnsel vm0, $0x0, v6;
	vm0 =	vge.f32 v18, $5.000000000e-01;
	v18 =	vld [tilespmem:s20+$0x0]  }
0x15e: {  	[tilespmem:s3+$0xFFFFFFA0] =	vst v6;
	v6 =	vnsel vm0, $0x0, v8;
	vm0 =	vge.f32 v19, $5.000000000e-01;
	v19 =	vld [tilespmem:s20+$0x10]  }
0x15f: {  	[tilespmem:s3+$0xFFFFFFB0] =	vst v6;
	v6 =	vnsel vm0, $0x0, v9;
	vm0 =	vge.f32 v14, $5.000000000e-01;
	v14 =	vld [tilespmem:s20+$0x20]  }
.Ltmp5:
0x160: {  	[tilespmem:s3+$0xFFFFFFC0] =	vst v6;
	v7 =	vnsel vm0, $0x0, v10;
	vm0 =	vge.f32 v16, $5.000000000e-01;
	v6 =	vld [tilespmem:s20+$0x30];
	(pc) =	sbr.rel @p1 .LBB2_8-.Ltmp5, $4  }
0x161: {  	[tilespmem:s3+$0xFFFFFFD0] =	vst v7;
	v8 =	vnsel vm0, $0x0, v11;
	vm0 =	vge.f32 v17, $5.000000000e-01;
	v7 =	vld [tilespmem:s20+$0x40]  }
0x162: {  	[tilespmem:s3+$0xFFFFFFE0] =	vst v8;
	v9 =	vnsel vm0, $0x0, v12;
	vm0 =	vge.f32 v18, $5.000000000e-01;
	v8 =	vld [tilespmem:s20+$0x50]  }
0x163: {  	[tilespmem:s3+$0xFFFFFFF0] =	vst v9;
	v11 =	vnsel vm0, $0x0, v13;
	vm0 =	vge.f32 v19, $5.000000000e-01;
	v9 =	vld [tilespmem:s20+$0x60]  }
0x164: {  	s23 =	sadd.s32 $0x100, s23;
	v10 =	vld [tilespmem:s20+$0xFFFFFF80];
	[tilespmem:s3+$0x0] =	vst v11;
	v11 =	vnsel vm0, $0x0, v15;
	vm0 =	vge.f32 v14, $5.000000000e-01  }
0x165: {  	[tilespmem:s3+$0x10] =	vst v11;
	v5 =	vnsel vm0, $0x0, v5;
	vm0 =	vge.f32 v6, $5.000000000e-01  }
0x166: {  	[tilespmem:s3+$0x20] =	vst v5;
	v2 =	vnsel vm0, $0x0, v2;
	vm0 =	vge.f32 v7, $5.000000000e-01  }
0x167: {  	[tilespmem:s3+$0x30] =	vst v2;
	v2 =	vnsel vm0, $0x0, v3;
	vm0 =	vge.f32 v8, $5.000000000e-01  }
0x168: {  	[tilespmem:s3+$0x40] =	vst v2;
	v2 =	vnsel vm0, $0x0, v4;
	vm0 =	vge.f32 v9, $5.000000000e-01  }
0x169: {  	vm1 =	vge.f32 v10, $5.000000000e-01;
	[tilespmem:s3+$0x50] =	vst v2;
	v1 =	vnsel vm0, $0x0, v1  }
0x16a: {  	v0 =	vnsel vm1, $0x0, v0;
	[tilespmem:s3+$0x60] =	vst v1  }
0x16b: {  	[tilespmem:s3+$0xFFFFFF80] =	vst v0  }
0x16c: {  	[hbm4b:s16+s2] =	stream.linear.scatter [tilespmem:s31], [sflag:$0x6], $0x5000, $0x38;
	[tilespmem:$0x1E000] =	vst v63  }
0x16d: {  	_ =	swait.ge [sflag:s25], $0x7A8  }
0x16e: {  	[sflag:s25] =	ssyncset.done $0x0  }
0x16f: {  	[sflag:s25] =	ssyncadd.s32 $0xFFFFF858  }
0x170: {  	_ =	swait.ge [sflag:s26], $0x7A8  }
0x171: {  	[sflag:s26] =	ssyncset.done $0x0  }
0x172: {  	[sflag:s26] =	ssyncadd.s32 $0xFFFFF858  }
0x173: {  	_ =	swait.ge [sflag:s1], $0x5000  }
0x174: {  	[sflag:s1] =	ssyncset.done $0x0  }
0x175: {  	s23 =	simm.s32 $0x80;
	[sflag:s1] =	ssyncadd.s32 $0xFFFFB000  }
0x176: {  	s20 =	simm.s32 $0xA080;
	v0 =	vld [tilespmem:s23+$0x70]  }
0x177: {  	v1 =	vld [tilespmem:s20+$0x70]  }
0x178: {  	v2 =	vld [tilespmem:s23+$0xFFFFFF80]  }
0x179: {  	v3 =	vld [tilespmem:s23+$0xFFFFFF90]  }
0x17a: {  	v4 =	vld [tilespmem:s23+$0xFFFFFFA0]  }
0x17b: {  	v5 =	vld [tilespmem:s23+$0xFFFFFFB0]  }
0x17c: {  	v6 =	vld [tilespmem:s23+$0xFFFFFFC0]  }
0x17d: {  	v7 =	vld [tilespmem:s23+$0xFFFFFFD0]  }
0x17e: {  	v8 =	vld [tilespmem:s23+$0xFFFFFFE0]  }
0x17f: {  	v9 =	vld [tilespmem:s23+$0xFFFFFFF0]  }
0x180: {  	v10 =	vld [tilespmem:s23+$0x0]  }
0x181: {  	v11 =	vld [tilespmem:s23+$0x10]  }
0x182: {  	v12 =	vld [tilespmem:s23+$0x20]  }
0x183: {  	v13 =	vld [tilespmem:s23+$0x30]  }
0x184: {  	v14 =	vld [tilespmem:s23+$0x40]  }
0x185: {  	v15 =	vld [tilespmem:s23+$0x50]  }
0x186: {  	v16 =	vld [tilespmem:s23+$0x60]  }
0x187: {  	v17 =	vld [tilespmem:s20+$0xFFFFFF90]  }
0x188: {  	v18 =	vld [tilespmem:s20+$0xFFFFFFA0]  }
0x189: {  	v20 =	vld [tilespmem:s20+$0xFFFFFFB0];
	v19 =	vadd.f32 v0, v0;
	v0 =	vadd.f32 v2, v2  }
0x18a: {  	vm0 =	vge.f32 v1, $5.000000000e-01;
	v1 =	vadd.f32 v3, v3;
	v2 =	vld [tilespmem:s20+$0xFFFFFFC0];
	v4 =	vadd.f32 v4, v4  }
0x18b: {  	v59 =	vld [tilespmem:s20+$0xFFFFFFD0];
	v5 =	vadd.f32 v5, v5;
	v6 =	vadd.f32 v6, v6  }
0x18c: {  	s3 =	simm.s32 $0x14080;
	v60 =	vld [tilespmem:s20+$0xFFFFFFE0];
	v7 =	vadd.f32 v7, v7;
	v3 =	vnsel vm0, $0x0, v19;
	vm0 =	vge.f32 v17, $5.000000000e-01  }
0x18d: {  	[tilespmem:s3+$0x70] =	vst v3;
	v3 =	vadd.f32 v8, v8;
	v1 =	vnsel vm0, $0x0, v1;
	vm0 =	vge.f32 v18, $5.000000000e-01;
	v8 =	vld [tilespmem:s20+$0xFFFFFFF0]  }
0x18e: {  	v9 =	vadd.f32 v9, v9;
	[tilespmem:s3+$0xFFFFFF90] =	vst v1;
	v1 =	vnsel vm0, $0x0, v4;
	vm0 =	vge.f32 v20, $5.000000000e-01;
	v4 =	vld [tilespmem:s20+$0x0]  }
0x18f: {  	v61 =	vld [tilespmem:s20+$0x10];
	v10 =	vadd.f32 v10, v10;
	[tilespmem:s3+$0xFFFFFFA0] =	vst v1;
	v1 =	vnsel vm0, $0x0, v5;
	vm0 =	vge.f32 v2, $5.000000000e-01  }
0x190: {  	v62 =	vld [tilespmem:s20+$0x20];
	v11 =	vadd.f32 v11, v11;
	[tilespmem:s3+$0xFFFFFFB0] =	vst v1;
	v1 =	vnsel vm0, $0x0, v6;
	vm0 =	vge.f32 v59, $5.000000000e-01  }
0x191: {  	v5 =	vadd.f32 v12, v12;
	v6 =	vld [tilespmem:s20+$0x30];
	[tilespmem:s3+$0xFFFFFFC0] =	vst v1;
	v1 =	vnsel vm0, $0x0, v7;
	vm0 =	vge.f32 v60, $5.000000000e-01  }
0x192: {  	v2 =	vadd.f32 v13, v13;
	v7 =	vld [tilespmem:s20+$0x40];
	[tilespmem:s3+$0xFFFFFFD0] =	vst v1;
	v1 =	vnsel vm0, $0x0, v3;
	vm0 =	vge.f32 v8, $5.000000000e-01  }
0x193: {  	v3 =	vadd.f32 v14, v14;
	v8 =	vld [tilespmem:s20+$0x50];
	[tilespmem:s3+$0xFFFFFFE0] =	vst v1;
	v1 =	vnsel vm0, $0x0, v9;
	vm0 =	vge.f32 v4, $5.000000000e-01  }
0x194: {  	v4 =	vadd.f32 v15, v15;
	v9 =	vld [tilespmem:s20+$0x60];
	[tilespmem:s3+$0xFFFFFFF0] =	vst v1;
	v63 =	vnsel vm0, $0x0, v10;
	vm0 =	vge.f32 v61, $5.000000000e-01  }
0x195: {  	s4 =	simm.s32 $0x0;
	s23 =	simm.s32 $0x180;
	v1 =	vadd.f32 v16, v16;
	v10 =	vld [tilespmem:s20+$0xFFFFFF80];
	[tilespmem:s3+$0x0] =	vst v63;
	v11 =	vnsel vm0, $0x0, v11;
	vm0 =	vge.f32 v62, $5.000000000e-01  }
.LBB2_10:
0x196: {  	v12 =	vld [tilespmem:s23+$0x70];
	s4 =	sadd.s32 $0x10, s4;
	[tilespmem:s3+$0x10] =	vst v11;
	v5 =	vnsel vm0, $0x0, v5;
	vm0 =	vge.f32 v6, $5.000000000e-01;
	s20 =	sadd.s32 $0x100, s20  }
0x197: {  	v6 =	vld [tilespmem:s20+$0x70];
	p1 =	slt.u32 s4, $0x60;
	[tilespmem:s3+$0x20] =	vst v5;
	v2 =	vnsel vm0, $0x0, v2;
	vm0 =	vge.f32 v7, $5.000000000e-01  }
0x198: {  	v5 =	vld [tilespmem:s23+$0xFFFFFF80];
	[tilespmem:s3+$0x30] =	vst v2;
	v2 =	vnsel vm0, $0x0, v3;
	vm0 =	vge.f32 v8, $5.000000000e-01  }
0x199: {  	v3 =	vld [tilespmem:s23+$0xFFFFFF90];
	[tilespmem:s3+$0x40] =	vst v2;
	v2 =	vnsel vm0, $0x0, v4;
	vm0 =	vge.f32 v9, $5.000000000e-01  }
0x19a: {  	v4 =	vld [tilespmem:s23+$0xFFFFFFA0];
	vm1 =	vge.f32 v10, $5.000000000e-01;
	[tilespmem:s3+$0x50] =	vst v2;
	v1 =	vnsel vm0, $0x0, v1  }
0x19b: {  	v2 =	vld [tilespmem:s23+$0xFFFFFFB0];
	v7 =	vadd.f32 v12, v12;
	v0 =	vnsel vm1, $0x0, v0;
	[tilespmem:s3+$0x60] =	vst v1  }
0x19c: {  	v1 =	vld [tilespmem:s23+$0xFFFFFFC0];
	vm0 =	vge.f32 v6, $5.000000000e-01;
	[tilespmem:s3+$0xFFFFFF80] =	vst v0  }
0x19d: {  	s3 =	sadd.s32 $0x100, s3;
	v0 =	vadd.f32 v5, v5;
	v5 =	vld [tilespmem:s23+$0xFFFFFFD0];
	v6 =	vnsel vm0, $0x0, v7  }
0x19e: {  	s5 =	simm.s32 $0x0;
	v7 =	vadd.f32 v3, v3;
	v3 =	vld [tilespmem:s23+$0xFFFFFFE0];
	[tilespmem:s3+$0x70] =	vst v6  }
0x19f: {  	v6 =	vadd.f32 v4, v4;
	v4 =	vld [tilespmem:s23+$0xFFFFFFF0]  }
0x1a0: {  	v8 =	vadd.f32 v2, v2;
	v2 =	vld [tilespmem:s23+$0x0]  }
0x1a1: {  	v9 =	vadd.f32 v1, v1;
	v1 =	vld [tilespmem:s23+$0x10]  }
0x1a2: {  	v10 =	vadd.f32 v5, v5;
	v5 =	vld [tilespmem:s23+$0x20]  }
0x1a3: {  	v11 =	vadd.f32 v3, v3;
	v3 =	vld [tilespmem:s23+$0x30]  }
0x1a4: {  	v12 =	vadd.f32 v4, v4;
	v4 =	vld [tilespmem:s23+$0x40]  }
0x1a5: {  	v13 =	vadd.f32 v2, v2;
	v14 =	vld [tilespmem:s23+$0x50]  }
0x1a6: {  	v15 =	vadd.f32 v1, v1;
	v1 =	vld [tilespmem:s23+$0x60]  }
0x1a7: {  	v16 =	vld [tilespmem:s20+$0xFFFFFF90];
	v5 =	vadd.f32 v5, v5  }
0x1a8: {  	v17 =	vld [tilespmem:s20+$0xFFFFFFA0];
	v2 =	vadd.f32 v3, v3  }
0x1a9: {  	v18 =	vld [tilespmem:s20+$0xFFFFFFB0];
	v3 =	vadd.f32 v4, v4  }
0x1aa: {  	v19 =	vld [tilespmem:s20+$0xFFFFFFC0];
	v4 =	vadd.f32 v14, v14  }
0x1ab: {  	v14 =	vld [tilespmem:s20+$0xFFFFFFD0];
	v1 =	vadd.f32 v1, v1  }
0x1ac: {  	vm0 =	vge.f32 v16, $5.000000000e-01;
	v16 =	vld [tilespmem:s20+$0xFFFFFFE0]  }
0x1ad: {  	v7 =	vnsel vm0, $0x0, v7;
	vm0 =	vge.f32 v17, $5.000000000e-01;
	v17 =	vld [tilespmem:s20+$0xFFFFFFF0]  }
0x1ae: {  	[tilespmem:s3+$0xFFFFFF90] =	vst v7;
	v6 =	vnsel vm0, $0x0, v6;
	vm0 =	vge.f32 v18, $5.000000000e-01;
	v18 =	vld [tilespmem:s20+$0x0]  }
0x1af: {  	[tilespmem:s3+$0xFFFFFFA0] =	vst v6;
	v6 =	vnsel vm0, $0x0, v8;
	vm0 =	vge.f32 v19, $5.000000000e-01;
	v19 =	vld [tilespmem:s20+$0x10]  }
0x1b0: {  	[tilespmem:s3+$0xFFFFFFB0] =	vst v6;
	v6 =	vnsel vm0, $0x0, v9;
	vm0 =	vge.f32 v14, $5.000000000e-01;
	v14 =	vld [tilespmem:s20+$0x20]  }
.Ltmp6:
0x1b1: {  	[tilespmem:s3+$0xFFFFFFC0] =	vst v6;
	v7 =	vnsel vm0, $0x0, v10;
	vm0 =	vge.f32 v16, $5.000000000e-01;
	v6 =	vld [tilespmem:s20+$0x30];
	(pc) =	sbr.rel @p1 .LBB2_10-.Ltmp6, $4  }
0x1b2: {  	[tilespmem:s3+$0xFFFFFFD0] =	vst v7;
	v8 =	vnsel vm0, $0x0, v11;
	vm0 =	vge.f32 v17, $5.000000000e-01;
	v7 =	vld [tilespmem:s20+$0x40]  }
0x1b3: {  	[tilespmem:s3+$0xFFFFFFE0] =	vst v8;
	v9 =	vnsel vm0, $0x0, v12;
	vm0 =	vge.f32 v18, $5.000000000e-01;
	v8 =	vld [tilespmem:s20+$0x50]  }
0x1b4: {  	[tilespmem:s3+$0xFFFFFFF0] =	vst v9;
	v11 =	vnsel vm0, $0x0, v13;
	vm0 =	vge.f32 v19, $5.000000000e-01;
	v9 =	vld [tilespmem:s20+$0x60]  }
0x1b5: {  	s23 =	sadd.s32 $0x100, s23;
	v10 =	vld [tilespmem:s20+$0xFFFFFF80];
	[tilespmem:s3+$0x0] =	vst v11;
	v11 =	vnsel vm0, $0x0, v15;
	vm0 =	vge.f32 v14, $5.000000000e-01  }
0x1b6: {  	[tilespmem:s3+$0x10] =	vst v11;
	v5 =	vnsel vm0, $0x0, v5;
	vm12 =	vge.f32 v6, $5.000000000e-01  }
0x1b7: {  	[tilespmem:s3+$0x20] =	vst v5;
	v2 =	vnsel vm12, $0x0, v2;
	vm13 =	vge.f32 v7, $5.000000000e-01  }
0x1b8: {  	[tilespmem:s3+$0x30] =	vst v2;
	v62 =	vnsel vm13, $0x0, v3;
	vm14 =	vge.f32 v8, $5.000000000e-01  }
0x1b9: {  	[tilespmem:s3+$0x40] =	vst v62;
	v63 =	vnsel vm14, $0x0, v4;
	vm15 =	vge.f32 v9, $5.000000000e-01  }
0x1ba: {  	vm1 =	vge.f32 v10, $5.000000000e-01;
	[tilespmem:s3+$0x50] =	vst v63;
	v1 =	vnsel vm15, $0x0, v1  }
0x1bb: {  	v0 =	vnsel vm1, $0x0, v0;
	[tilespmem:s3+$0x60] =	vst v1  }
0x1bc: {  	[tilespmem:s3+$0xFFFFFF80] =	vst v0  }
.LBB2_12:
0x1bd: {  	s3 =	sshra.s32 s5, $0x2  }
0x1be: {  	v0 =	vld [tilespmem:s3+$0x700]  }
0x1bf: {  	v1 =	vld [tilespmem:s3+$0xA700];
	_ =	sdelay $0x1  }
0x1c0: {  	p1 =	sne.s32 s5, $0x280  }
.Ltmp7:
0x1c1: {  	_ = 	snop;
	(pc) =	sbr.rel @p1 .LBB2_12-.Ltmp7, $4  }
0x1c2: {  	v0 =	vadd.f32 v0, v0  }
0x1c3: {  	vm0 =	vge.f32 v1, $5.000000000e-01  }
0x1c4: {  	v0 =	vnsel vm0, $0x0, v0  }
0x1c5: {  	s5 =	sadd.s32 $0x40, s5;
	[tilespmem:s3+$0x14700] =	vst v0  }
0x1c6: {  	[hbm4b:s17+s2] =	stream.linear.scatter [tilespmem:s28], [sflag:$0x5], $0x7A8, $0x38;
	[tilespmem:$0x1E000] =	vst v63  }
0x1c7: {  	_ =	swait.ge [sflag:s0], $0x5000  }
.Ltmp8:
0x1c8: {  	[sflag:s0] =	ssyncset.done $0x0;
	(pc) =	sbr.rel @p0 .LBB2_15-.Ltmp8, $4  }
0x1c9: {  	[sflag:s0] =	ssyncadd.s32 $0xFFFFB000  }
0x1ca: {  	_ =	swait.ge [sflag:s1], $0x7A8  }
0x1cb: {  	[sflag:s1] =	ssyncset.done $0x0  }
0x1cc: {  	[sflag:s1] =	ssyncadd.s32 $0xFFFFF858  }
0x1cd: {  	s3 =	rddreg [dreg:$0x7]  }
0x1ce: {  	[tilespmem:s2], [sflag:$0x7] =	stream.linear.gather [hbm4b:s3+s2], $0xC2, $0x38;
	[tilespmem:$0x1E000] =	vst v63  }
0x1cf: {  	_ =	swait.ge [sflag:s18], $0xC2  }
0x1d0: {  	[sflag:s18] =	ssyncset.done $0x0  }
0x1d1: {  	s20 =	rddreg [dreg:$0x8];
	[sflag:s18] =	ssyncadd.s32 $0xFFFFFF3E  }
0x1d2: {  	[tilespmem:s22], [sflag:$0x7] =	stream.linear.gather [hbm4b:s20+s2], $0xC2, $0x38;
	[tilespmem:$0x1E000] =	vst v63  }
0x1d3: {  	_ =	swait.ge [sflag:s18], $0xC2  }
0x1d4: {  	[sflag:s18] =	ssyncset.done $0x0  }
0x1d5: {  	[sflag:s18] =	ssyncadd.s32 $0xFFFFFF3E  }
0x1d6: {  	v0 =	vld [tilespmem:$0xA000]  }
0x1d7: {  	v1 =	vld [tilespmem:$0x0]  }
0x1d8: {  	v2 =	vld [tilespmem:$0xA010]  }
0x1d9: {  	v3 =	vld [tilespmem:$0x10]  }
0x1da: {  	v4 =	vld [tilespmem:$0xA020]  }
0x1db: {  	v5 =	vld [tilespmem:$0x20]  }
0x1dc: {  	v6 =	vld [tilespmem:$0xA030]  }
0x1dd: {  	v7 =	vld [tilespmem:$0x30]  }
0x1de: {  	v8 =	vld [tilespmem:$0xA040]  }
0x1df: {  	v9 =	vld [tilespmem:$0x40]  }
0x1e0: {  	v10 =	vld [tilespmem:$0xA050]  }
0x1e1: {  	v11 =	vld [tilespmem:$0x50]  }
0x1e2: {  	v12 =	vld [tilespmem:$0xA060]  }
0x1e3: {  	v13 =	vld [tilespmem:$0x60]  }
0x1e4: {  	v14 =	vld [tilespmem:$0xA070]  }
0x1e5: {  	v15 =	vld [tilespmem:$0x70]  }
0x1e6: {  	v16 =	vld [tilespmem:$0xA080]  }
0x1e7: {  	v17 =	vld [tilespmem:$0x80];
	v1 =	vadd.f32 v1, v1  }
0x1e8: {  	v34 =	vld [tilespmem:$0xA090];
	vm0 =	vge.f32 v0, $5.000000000e-01;
	v33 =	vadd.f32 v3, v3  }
0x1e9: {  	v36 =	vld [tilespmem:$0x90];
	vm4 =	vge.f32 v2, $5.000000000e-01;
	v35 =	vadd.f32 v5, v5;
	v1 =	vnsel vm0, $0x0, v1  }
0x1ea: {  	v38 =	vld [tilespmem:$0xA0A0];
	vm5 =	vge.f32 v4, $5.000000000e-01;
	v37 =	vadd.f32 v7, v7;
	v0 =	vnsel vm4, $0x0, v33;
	[tilespmem:$0x14000] =	vst v1  }
0x1eb: {  	v41 =	vld [tilespmem:$0xA0];
	vm6 =	vge.f32 v6, $5.000000000e-01;
	v40 =	vadd.f32 v9, v9;
	v39 =	vnsel vm5, $0x0, v35;
	[tilespmem:$0x14010] =	vst v0  }
0x1ec: {  	v44 =	vld [tilespmem:$0xA0B0];
	vm7 =	vge.f32 v8, $5.000000000e-01;
	v43 =	vadd.f32 v11, v11;
	v42 =	vnsel vm6, $0x0, v37;
	[tilespmem:$0x14020] =	vst v39  }
0x1ed: {  	v47 =	vld [tilespmem:$0xB0];
	vm8 =	vge.f32 v10, $5.000000000e-01;
	v46 =	vadd.f32 v13, v13;
	v45 =	vnsel vm7, $0x0, v40;
	[tilespmem:$0x14030] =	vst v42  }
0x1ee: {  	v50 =	vld [tilespmem:$0xC0];
	vm9 =	vge.f32 v12, $5.000000000e-01;
	v49 =	vadd.f32 v15, v15;
	v48 =	vnsel vm8, $0x0, v43;
	[tilespmem:$0x14040] =	vst v45  }
0x1ef: {  	v53 =	vld [tilespmem:$0xA0C0];
	vm10 =	vge.f32 v14, $5.000000000e-01;
	v52 =	vadd.f32 v17, v17;
	v51 =	vnsel vm9, $0x0, v46;
	[tilespmem:$0x14050] =	vst v48  }
0x1f0: {  	vm11 =	vge.f32 v16, $5.000000000e-01;
	v55 =	vadd.f32 v36, v36;
	v54 =	vnsel vm10, $0x0, v49;
	[tilespmem:$0x14060] =	vst v51  }
0x1f1: {  	vm12 =	vge.f32 v34, $5.000000000e-01;
	v57 =	vadd.f32 v41, v41;
	v56 =	vnsel vm11, $0x0, v52;
	[tilespmem:$0x14070] =	vst v54  }
0x1f2: {  	vm13 =	vge.f32 v38, $5.000000000e-01;
	v59 =	vadd.f32 v47, v47;
	v58 =	vnsel vm12, $0x0, v55;
	[tilespmem:$0x14080] =	vst v56  }
0x1f3: {  	vm14 =	vge.f32 v44, $5.000000000e-01;
	v61 =	vadd.f32 v50, v50;
	v60 =	vnsel vm13, $0x0, v57;
	[tilespmem:$0x14090] =	vst v58  }
0x1f4: {  	vm15 =	vge.f32 v53, $5.000000000e-01;
	v62 =	vnsel vm14, $0x0, v59;
	[tilespmem:$0x140A0] =	vst v60  }
0x1f5: {  	v63 =	vnsel vm15, $0x0, v61;
	[tilespmem:$0x140B0] =	vst v62  }
.Ltmp9:
0x1f6: {  	s23 =	rddreg [dreg:$0x9];
	[tilespmem:$0x140C0] =	vst v63;
	(pc) =	sbr.rel .LBB2_15-.Ltmp9, $4  }
0x1f7: {  	[hbm4b:s23+s2] =	stream.linear.scatter [tilespmem:s28], [sflag:$0x7], $0xC2, $0x38;
	[tilespmem:$0x1E000] =	vst v63  }
0x1f8: {  	_ =	swait.ge [sflag:s18], $0xC2  }
0x1f9: {  	[sflag:s18] =	ssyncset.done $0x0  }
0x1fa: {  	[sflag:s18] =	ssyncadd.s32 $0xFFFFFF3E  }
.LBB2_16:
0x1fb: {  	_ =	sfence.sel $0x180000  }
0x1fc: {  	[bflag:$0x0] =	sbarrier.arrive $0xFFFF  }
0x1fd: {  	_ =	strace $0x90000047  }
0x1fe: {  	s0 =	stileid.u32;
	[bflag:$0x2] =	sbarrier.arrive $0xFFFF  }
0x1ff: {  	p0 =	sne.s32 s0, $0x0;
	s0 =	rddreg [dreg:$0x3]  }
0x200: {  	s0 =	sadd.s32 @!p0 $0x100000, s0  }
0x201: {  	[sflag:s0] =	ssyncadd.tile.s32 @!p0 $0x1;
	_ =	shalt  }
.Lfunc_end2:
_tile_overlayer_lowered:
.L_overlay_start_2:
0x202: {  	(tag) =	ssettag $0x2  }
0x203: {  	s0 =	rddreg [dreg:$0x0];
	s2 =	stileid.u32  }
0x204: {  	s1 =	rddreg [dreg:$0x1];
	p0 =	sne.s32 s2, $0x0  }
0x205: {  	s3 =	rddreg [dreg:$0x2];
	[bflag:$0x3] =	sbarrier.arrive $0xFFFF;
	s2 =	simm.s32 @!p0 $0x1C07  }
0x206: {  	[timem:s3], [sflag:s2] =	dma.local @!p0 [hbm:s0], s1  }
0x207: {  	s0 =	simm.s32 @!p0 $0x7  }
0x208: {  	_ =	swait.ge @!p0 [sflag:s0], s1  }
0x209: {  	s1 =	ssub.s32 @!p0 $0x0, s1;
	[sflag:s0] =	ssyncset.done @!p0 $0x0  }
0x20a: {  	[sflag:s0] =	ssyncadd.s32 @!p0 s1  }
0x20b: {  	[bflag:$0x3] =	sbarrier.arrive $0xFFFF  }
0x20c: {  	_ =	shalt  }

</sc_bundles>
